<compile_context>
chip_gen: v7x
topology: tpu7x:2x2x1
jax: 0.10.2.dev20260603
libtpu: 0.0.44.dev20260713+nightly
codegen_flags: <defaults>
</compile_context>

<pallas_src>
import functools
import jax
import jax.numpy as jnp
from jax import lax
from jax.experimental import pallas as pl
from jax.experimental.pallas import tpu as pltpu
from jax.experimental.pallas import tpu_sc as plsc

NC = 2
NS = 16
NW = NC * NS
LANES = 16
C = 128


def _sc_mesh():
    return plsc.VectorSubcoreMesh(
        core_axis_name="c", subcore_axis_name="s", num_cores=NC,
        num_subcores=NS)


def _make_degree_kernel(n_acc, chunks, d):
    rows_per_tile = n_acc // NS

    @functools.partial(
        pl.kernel,
        mesh=_sc_mesh(),
        out_type=jax.ShapeDtypeStruct((NC, n_acc, d), jnp.float32),
        scratch_types=[
            pltpu.VMEM_SHARED((n_acc, d), jnp.float32),
            pltpu.VMEM((chunks, C), jnp.int32),
            pltpu.VMEM((C, d), jnp.float32),
        ],
    )
    def deg_kernel(dst_hbm, zeros_hbm, ones_hbm, out_hbm, acc_sh, dstv, onesv):
        c = lax.axis_index("c")
        s = lax.axis_index("s")
        w = c * NS + s
        pltpu.sync_copy(ones_hbm, onesv)
        pltpu.sync_copy(dst_hbm.at[w], dstv)
        sl = pl.ds(s * rows_per_tile, rows_per_tile)
        pltpu.sync_copy(zeros_hbm.at[sl], acc_sh.at[sl])
        plsc.subcore_barrier()

        def step(i, carry):
            pltpu.sync_copy(onesv, acc_sh.at[dstv.at[i]], add=True)
            return carry

        lax.fori_loop(0, chunks, step, 0)
        plsc.subcore_barrier()
        pltpu.sync_copy(acc_sh.at[sl], out_hbm.at[c, sl])

    return deg_kernel


def _make_mp_kernel(n_acc, chunks, d):
    rows_per_tile = n_acc // NS

    assert chunks % 4 == 0
    passes = 2
    pch = chunks // passes
    half = pch // 2

    @functools.partial(
        pl.kernel,
        mesh=_sc_mesh(),
        out_type=jax.ShapeDtypeStruct((NC, n_acc, d), jnp.float32),
        scratch_types=[
            pltpu.VMEM_SHARED((n_acc, d), jnp.float32),
            pltpu.VMEM((pch, C), jnp.int32),
            pltpu.VMEM((pch, C), jnp.int32),
            pltpu.VMEM((C, d), jnp.float32),
            pltpu.VMEM((C, d), jnp.float32),
            pltpu.SemaphoreType.DMA,
            pltpu.SemaphoreType.DMA,
        ],
    )
    def mp_kernel(y_hbm, src_hbm, dst_hbm, zeros_hbm, out_hbm,
                  acc_sh, srcv, dstv, rows0, rows1, gs0, gs1):
        c = lax.axis_index("c")
        s = lax.axis_index("s")
        w = c * NS + s
        sl = pl.ds(s * rows_per_tile, rows_per_tile)
        pltpu.sync_copy(zeros_hbm.at[sl], acc_sh.at[sl])
        plsc.subcore_barrier()

        for p in range(passes):
            pltpu.sync_copy(src_hbm.at[w, pl.ds(p * pch, pch)], srcv)
            pltpu.sync_copy(dst_hbm.at[w, pl.ds(p * pch, pch)], dstv)
            pltpu.async_copy(y_hbm.at[srcv.at[0]], rows0, gs0)

            def step(i, carry):
                j0 = 2 * i
                pltpu.make_async_copy(y_hbm.at[srcv.at[0]], rows0, gs0).wait()
                pltpu.async_copy(y_hbm.at[srcv.at[j0 + 1]], rows1, gs1)
                pltpu.sync_copy(rows0, acc_sh.at[dstv.at[j0]], add=True)
                jn = jnp.where(j0 + 2 < pch, j0 + 2, 0)
                pltpu.make_async_copy(y_hbm.at[srcv.at[0]], rows1, gs1).wait()
                pltpu.async_copy(y_hbm.at[srcv.at[jn]], rows0, gs0)
                pltpu.sync_copy(rows1, acc_sh.at[dstv.at[j0 + 1]], add=True)
                return carry

            lax.fori_loop(0, half, step, 0)
            pltpu.make_async_copy(y_hbm.at[srcv.at[0]], rows0, gs0).wait()
        plsc.subcore_barrier()
        pltpu.sync_copy(acc_sh.at[sl], out_hbm.at[c, sl])

    return mp_kernel


def _tc_call(body, out_shapes):
    return pl.pallas_call(body, out_shape=out_shapes)


def _mm1_body(x_ref, wc_ref, wl_ref, bl_ref, xw_ref, l_ref):
    x = x_ref[...]
    xw_ref[...] = jnp.dot(x, wc_ref[...], preferred_element_type=jnp.float32)
    l_ref[...] = (
        jnp.dot(x, wl_ref[...], preferred_element_type=jnp.float32)
        + bl_ref[...])


def _scale1_body(xw_ref, degp_ref, y_ref, dis_ref):
    n = y_ref.shape[0]
    deg = degp_ref[0, :n, 0:1] + degp_ref[1, :n, 0:1]
    dis = jnp.where(deg > 0.0, lax.rsqrt(jnp.where(deg > 0.0, deg, 1.0)), 0.0)
    dis_ref[...] = dis
    y_ref[...] = dis * xw_ref[...]


def _mid_body(m_ref, l1_ref, dis_ref, bc_ref, wc2_ref, wl2_ref, bl2_ref,
              y2_ref, l2_ref):
    n = l1_ref.shape[0]
    dis = dis_ref[...]
    conv1 = dis * (m_ref[0, :n, :] + m_ref[1, :n, :]) + bc_ref[...]
    h = jnp.maximum(conv1 + l1_ref[...], 0.0)
    y2_ref[...] = dis * jnp.dot(h, wc2_ref[...],
                                preferred_element_type=jnp.float32)
    l2_ref[...] = (
        jnp.dot(h, wl2_ref[...], preferred_element_type=jnp.float32)
        + bl2_ref[...])


def _final_body(m_ref, l2_ref, dis_ref, bc2_ref, grp_ref, wh_ref, bh_ref,
                out_ref):
    n = l2_ref.shape[0]
    g = out_ref.shape[0]
    h2 = (dis_ref[...] * (m_ref[0, :n, :] + m_ref[1, :n, :])
          + bc2_ref[...] + l2_ref[...])
    seg = lax.broadcasted_iota(jnp.int32, (g, n), 0)
    onehot_t = (seg == grp_ref[...]).astype(jnp.float32)
    pooled = jnp.dot(onehot_t, h2, preferred_element_type=jnp.float32)
    out_ref[...] = (
        jnp.dot(jnp.maximum(pooled, 0.0), wh_ref[...],
                preferred_element_type=jnp.float32)
        + bh_ref[...])


def kernel(x, edge_index, group, W_conv1, b_conv1, W_lin1, b_lin1,
           W_conv2, b_conv2, W_lin2, b_lin2, W_head, b_head):
    n, d = x.shape
    h = W_conv1.shape[1]
    o = W_conv2.shape[1]
    g = 256
    e = edge_index.shape[1]

    chunks = -(-e // (NW * C))
    chunks += (-chunks) % 4
    e_pad = chunks * NW * C
    n_acc = -(-(n + 1) // (NS * 8)) * (NS * 8)

    src = edge_index[0].astype(jnp.int32)
    dst = edge_index[1].astype(jnp.int32)
    src_r = jnp.concatenate(
        [src, jnp.zeros((e_pad - e,), jnp.int32)]).reshape(NW, chunks, C)
    dst_r = jnp.concatenate(
        [dst, jnp.full((e_pad - e,), n, jnp.int32)]).reshape(NW, chunks, C)

    ones_chunk = jnp.ones((C, d), jnp.float32)
    zeros_big = jnp.zeros((n_acc, d), jnp.float32)

    deg_parts = _make_degree_kernel(n_acc, chunks, d)(dst_r, zeros_big,
                                                      ones_chunk)

    xw1, l1 = _tc_call(
        _mm1_body,
        [jax.ShapeDtypeStruct((n, h), jnp.float32),
         jax.ShapeDtypeStruct((n, h), jnp.float32)],
    )(x, W_conv1, W_lin1, b_lin1.reshape(1, h))

    y1, dis = _tc_call(
        _scale1_body,
        [jax.ShapeDtypeStruct((n, h), jnp.float32),
         jax.ShapeDtypeStruct((n, 1), jnp.float32)],
    )(xw1, deg_parts)

    mp = _make_mp_kernel(n_acc, chunks, h)
    m1 = mp(y1, src_r, dst_r, zeros_big)

    y2, l2 = _tc_call(
        _mid_body,
        [jax.ShapeDtypeStruct((n, o), jnp.float32),
         jax.ShapeDtypeStruct((n, o), jnp.float32)],
    )(m1, l1, dis, b_conv1.reshape(1, h), W_conv2, W_lin2,
      b_lin2.reshape(1, o))

    m2 = mp(y2, src_r, dst_r, zeros_big)

    wh_pad = jnp.zeros((o, 128), jnp.float32).at[:, 0].set(W_head[:, 0])
    out_pad = _tc_call(
        _final_body,
        jax.ShapeDtypeStruct((g, 128), jnp.float32),
    )(m2, l2, dis, b_conv2.reshape(1, o), group.astype(jnp.int32).reshape(1, n),
      wh_pad, b_head.reshape(1, 1))

    return out_pad[:, 0]

# --- scband reference (transcript-rebuilt; emitter-appended) ---
"""Pipeline reference for scband-homo-gnn-75677323755530 (READ-ONLY COPY).

The authoritative reference and input builder live on the scoring server;
editing this copy changes nothing except your own understanding.
"""

import jax, jax.numpy as jnp
import numpy as np

N = 10000
E = 320000
D = 128
H = 128
O = 128
G = 256


def setup_inputs(seed: int = 0) -> dict:
    key = jax.random.key(seed)
    ks = jax.random.split(key, 14)
    x = jax.random.normal(ks[0], (N, D), dtype=jnp.float32)
    edge_index = jax.random.randint(ks[1], (2, E), 0, N, dtype=jnp.int64)
    group = jnp.sort(jax.random.randint(ks[2], (N,), 0, G, dtype=jnp.int64))
    s_d = 1.0 / np.sqrt(D)
    s_h = 1.0 / np.sqrt(H)
    s_o = 1.0 / np.sqrt(O)
    W_conv1 = jax.random.normal(ks[3], (D, H), dtype=jnp.float32) * s_d
    b_conv1 = jnp.zeros((H,), dtype=jnp.float32)
    W_lin1 = jax.random.normal(ks[4], (D, H), dtype=jnp.float32) * s_d
    b_lin1 = jnp.zeros((H,), dtype=jnp.float32)
    W_conv2 = jax.random.normal(ks[5], (H, O), dtype=jnp.float32) * s_h
    b_conv2 = jnp.zeros((O,), dtype=jnp.float32)
    W_lin2 = jax.random.normal(ks[6], (H, O), dtype=jnp.float32) * s_h
    b_lin2 = jnp.zeros((O,), dtype=jnp.float32)
    W_head = jax.random.normal(ks[7], (O, 1), dtype=jnp.float32) * s_o
    b_head = jnp.zeros((1,), dtype=jnp.float32)
    return {
        "x": x, "edge_index": edge_index, "group": group,
        "W_conv1": W_conv1, "b_conv1": b_conv1,
        "W_lin1": W_lin1, "b_lin1": b_lin1,
        "W_conv2": W_conv2, "b_conv2": b_conv2,
        "W_lin2": W_lin2, "b_lin2": b_lin2,
        "W_head": W_head, "b_head": b_head,
    }


def _gcn_conv(x, edge_index, W, b):
    # GCNConv without self loops: out = D^{-1/2} A D^{-1/2} (X W) + b
    src = edge_index[0]
    dst = edge_index[1]
    xw = x @ W
    n = x.shape[0]
    deg = jnp.zeros((n,), dtype=xw.dtype).at[dst].add(1.0)
    deg_inv_sqrt = jnp.where(deg > 0, jax.lax.rsqrt(jnp.where(deg > 0, deg, 1.0)), 0.0)
    norm = deg_inv_sqrt[src] * deg_inv_sqrt[dst]
    msg = jnp.take(xw, src, axis=0) * norm[:, None]
    out = jnp.zeros_like(xw).at[dst].add(msg)
    return out + b


def reference(x, edge_index, group, W_conv1, b_conv1, W_lin1, b_lin1,
              W_conv2, b_conv2, W_lin2, b_lin2, W_head, b_head):
    h = _gcn_conv(x, edge_index, W_conv1, b_conv1) + (x @ W_lin1 + b_lin1)
    h = jax.nn.relu(h)
    h2 = _gcn_conv(h, edge_index, W_conv2, b_conv2) + (h @ W_lin2 + b_lin2)
    pooled = jax.ops.segment_sum(h2, group, num_segments=G)
    out = jax.nn.relu(pooled) @ W_head + b_head
    return out.reshape(-1)

if __name__ == "__main__":
    import jax
    _d = setup_inputs()
    print(jax.jit(kernel)(*tuple(_d.values())))

</pallas_src>

<mosaic_0001>
#map = affine_map<(d0, d1) -> (0, 0, 0)>
#map1 = affine_map<(d0, d1) -> (0, 0)>
module attributes {stable_mosaic.version = 14 : i64} {
  func.func @deg_kernel(%arg0: i32, %arg1: i32, %arg2: memref<32x80x128xi32, #tpu.memory_space<hbm>>, %arg3: memref<10112x128xf32, #tpu.memory_space<hbm>>, %arg4: memref<128x128xf32, #tpu.memory_space<hbm>>, %arg5: memref<2x10112x128xf32, #tpu.memory_space<hbm>>, %arg6: memref<10112x128xf32, #tpu.memory_space<vmem_shared>>, %arg7: memref<80x128xi32, #tpu.memory_space<vmem>>, %arg8: memref<128x128xf32, #tpu.memory_space<vmem>>) attributes {dimension_semantics = [#tpu.dimension_semantics<core_parallel>, #tpu.dimension_semantics<subcore_parallel>], iteration_bounds = array<i64: 2, 16>, scalar_prefetch = 0 : i64, scratch_operands = 3 : i64, tpu.core_type = #tpu.core_type<sc_vector_subcore>, window_params = [{transform_indices = #map}, {transform_indices = #map1}, {transform_indices = #map1}, {transform_indices = #map}]} {
    %mul3A = arith.constant 16 : i32
    %mul3A_0 = arith.muli %arg0, %mul3A : i32
    %add3A = arith.addi %mul3A_0, %arg1 : i32
    "tpu.region"() ({
      %run_scoped3A = tpu.sem_alloc : memref<!tpu.dma_semaphore, #tpu.memory_space<semaphore_mem>>
      tpu.enqueue_dma source(%arg4 : memref<128x128xf32, #tpu.memory_space<hbm>>) target(%arg8 : memref<128x128xf32, #tpu.memory_space<vmem>>) target_semaphore(%run_scoped3A : memref<!tpu.dma_semaphore, #tpu.memory_space<semaphore_mem>>)
      tpu.wait_dma2 semaphore(%run_scoped3A : memref<!tpu.dma_semaphore, #tpu.memory_space<semaphore_mem>>) src(%arg4 : memref<128x128xf32, #tpu.memory_space<hbm>>) dst(%arg8 : memref<128x128xf32, #tpu.memory_space<vmem>>)
      tpu.yield
    }) : () -> ()
    "tpu.region"() ({
      %run_scoped3A = tpu.sem_alloc : memref<!tpu.dma_semaphore, #tpu.memory_space<semaphore_mem>>
      %dma_start3A = arith.constant 0 : i32
      %dma_start3A_9 = arith.constant 0 : i32
      %dma_start3A_10 = tpu.memref_slice %arg2[%add3A, %dma_start3A, %dma_start3A_9] : memref<32x80x128xi32, #tpu.memory_space<hbm>> -> memref<1x80x128xi32, #tpu.memory_space<hbm>>
      %dma_start3A_11 = tpu.memref_squeeze %dma_start3A_10 : memref<1x80x128xi32, #tpu.memory_space<hbm>> -> memref<80x128xi32, #tpu.memory_space<hbm>>
      %dma_start3A_12 = arith.constant 0 : i32
      %dma_start3A_13 = arith.constant 0 : i32
      %dma_start3A_14 = tpu.memref_slice %arg2[%add3A, %dma_start3A_12, %dma_start3A_13] : memref<32x80x128xi32, #tpu.memory_space<hbm>> -> memref<1x80x128xi32, #tpu.memory_space<hbm>>
      %dma_start3A_15 = tpu.memref_squeeze %dma_start3A_14 : memref<1x80x128xi32, #tpu.memory_space<hbm>> -> memref<80x128xi32, #tpu.memory_space<hbm>>
      tpu.enqueue_dma source(%dma_start3A_15 : memref<80x128xi32, #tpu.memory_space<hbm>>) target(%arg7 : memref<80x128xi32, #tpu.memory_space<vmem>>) target_semaphore(%run_scoped3A : memref<!tpu.dma_semaphore, #tpu.memory_space<semaphore_mem>>)
      %dma_wait3A = arith.constant 0 : i32
      %dma_wait3A_16 = arith.constant 0 : i32
      %dma_wait3A_17 = tpu.memref_slice %arg2[%add3A, %dma_wait3A, %dma_wait3A_16] : memref<32x80x128xi32, #tpu.memory_space<hbm>> -> memref<1x80x128xi32, #tpu.memory_space<hbm>>
      %dma_wait3A_18 = tpu.memref_squeeze %dma_wait3A_17 : memref<1x80x128xi32, #tpu.memory_space<hbm>> -> memref<80x128xi32, #tpu.memory_space<hbm>>
      %dma_wait3A_19 = arith.constant 0 : i32
      %dma_wait3A_20 = arith.constant 0 : i32
      %dma_wait3A_21 = tpu.memref_slice %arg2[%add3A, %dma_wait3A_19, %dma_wait3A_20] : memref<32x80x128xi32, #tpu.memory_space<hbm>> -> memref<1x80x128xi32, #tpu.memory_space<hbm>>
      %dma_wait3A_22 = tpu.memref_squeeze %dma_wait3A_21 : memref<1x80x128xi32, #tpu.memory_space<hbm>> -> memref<80x128xi32, #tpu.memory_space<hbm>>
      tpu.wait_dma2 semaphore(%run_scoped3A : memref<!tpu.dma_semaphore, #tpu.memory_space<semaphore_mem>>) src(%dma_wait3A_22 : memref<80x128xi32, #tpu.memory_space<hbm>>) dst(%arg7 : memref<80x128xi32, #tpu.memory_space<vmem>>)
      tpu.yield
    }) : () -> ()
    %mul3A_1 = arith.constant 632 : i32
    %mul3A_2 = arith.muli %arg1, %mul3A_1 : i32
    "tpu.region"() ({
      %run_scoped3A = tpu.sem_alloc : memref<!tpu.dma_semaphore, #tpu.memory_space<semaphore_mem>>
      %dma_start3A = arith.constant 0 : i32
      %dma_start3A_9 = tpu.memref_slice %arg6[%mul3A_2, %dma_start3A] : memref<10112x128xf32, #tpu.memory_space<vmem_shared>> -> memref<632x128xf32, #tpu.memory_space<vmem_shared>>
      %dma_start3A_10 = arith.constant 0 : i32
      %dma_start3A_11 = tpu.memref_slice %arg3[%mul3A_2, %dma_start3A_10] : memref<10112x128xf32, #tpu.memory_space<hbm>> -> memref<632x128xf32, #tpu.memory_space<hbm>>
      tpu.enqueue_dma source(%dma_start3A_11 : memref<632x128xf32, #tpu.memory_space<hbm>>) target(%dma_start3A_9 : memref<632x128xf32, #tpu.memory_space<vmem_shared>>) target_semaphore(%run_scoped3A : memref<!tpu.dma_semaphore, #tpu.memory_space<semaphore_mem>>)
      %dma_wait3A = arith.constant 0 : i32
      %dma_wait3A_12 = tpu.memref_slice %arg6[%mul3A_2, %dma_wait3A] : memref<10112x128xf32, #tpu.memory_space<vmem_shared>> -> memref<632x128xf32, #tpu.memory_space<vmem_shared>>
      %dma_wait3A_13 = arith.constant 0 : i32
      %dma_wait3A_14 = tpu.memref_slice %arg3[%mul3A_2, %dma_wait3A_13] : memref<10112x128xf32, #tpu.memory_space<hbm>> -> memref<632x128xf32, #tpu.memory_space<hbm>>
      tpu.wait_dma2 semaphore(%run_scoped3A : memref<!tpu.dma_semaphore, #tpu.memory_space<semaphore_mem>>) src(%dma_wait3A_14 : memref<632x128xf32, #tpu.memory_space<hbm>>) dst(%dma_wait3A_12 : memref<632x128xf32, #tpu.memory_space<vmem_shared>>)
      tpu.yield
    }) : () -> ()
    %barrier3A = arith.constant 0 : index
    tpu.barrier barrier_id(%barrier3A)
    %scan3A = arith.constant 0 : i32
    %scan3A_3 = arith.constant 0 : i32
    %scan3A_4 = arith.constant 80 : i32
    %scan3A_5 = arith.addi %scan3A_3, %scan3A_4 : i32
    %scan3A_6 = arith.constant 1 : i32
    scf.for %scan3A_9 = %scan3A_3 to %scan3A_5 step %scan3A_6  : i32 {
      "tpu.region"() ({
        %run_scoped3A = tpu.sem_alloc : memref<!tpu.dma_semaphore, #tpu.memory_space<semaphore_mem>>
        %dma_start3A = arith.constant 0 : i32
        %dma_start3A_10 = tpu.memref_slice %arg7[%scan3A_9, %dma_start3A] : memref<80x128xi32, #tpu.memory_space<vmem>> -> memref<1x128xi32, #tpu.memory_space<vmem>>
        %dma_start3A_11 = tpu.memref_squeeze %dma_start3A_10 : memref<1x128xi32, #tpu.memory_space<vmem>> -> memref<128xi32, #tpu.memory_space<vmem>>
        %dma_start3A_12 = arith.constant 0 : i32
        %dma_start3A_13 = arith.constant 0 : i32
        %dma_start3A_14 = tpu.memref_slice %arg6[%dma_start3A_12, %dma_start3A_13] : memref<10112x128xf32, #tpu.memory_space<vmem_shared>> -> memref<10112x128xf32, #tpu.memory_space<vmem_shared>>
        tpu.enqueue_indirect_dma source(%arg8 : memref<128x128xf32, #tpu.memory_space<vmem>>) target(%dma_start3A_14 : memref<10112x128xf32, #tpu.memory_space<vmem_shared>>) offsets(%dma_start3A_11 : memref<128xi32, #tpu.memory_space<vmem>>) semaphore(%run_scoped3A : memref<!tpu.dma_semaphore, #tpu.memory_space<semaphore_mem>>) {add = true}
        %dma_wait3A = arith.constant 0 : i32
        %dma_wait3A_15 = tpu.memref_slice %arg7[%scan3A_9, %dma_wait3A] : memref<80x128xi32, #tpu.memory_space<vmem>> -> memref<1x128xi32, #tpu.memory_space<vmem>>
        %dma_wait3A_16 = tpu.memref_squeeze %dma_wait3A_15 : memref<1x128xi32, #tpu.memory_space<vmem>> -> memref<128xi32, #tpu.memory_space<vmem>>
        %dma_wait3A_17 = arith.constant 0 : i32
        %dma_wait3A_18 = arith.constant 0 : i32
        %dma_wait3A_19 = tpu.memref_slice %arg6[%dma_wait3A_17, %dma_wait3A_18] : memref<10112x128xf32, #tpu.memory_space<vmem_shared>> -> memref<10112x128xf32, #tpu.memory_space<vmem_shared>>
        tpu.wait_indirect_dma semaphore(%run_scoped3A : memref<!tpu.dma_semaphore, #tpu.memory_space<semaphore_mem>>) src(%arg8 : memref<128x128xf32, #tpu.memory_space<vmem>>) dst(%dma_wait3A_19 : memref<10112x128xf32, #tpu.memory_space<vmem_shared>>)
        tpu.yield
      }) : () -> ()
    }
    %scan3A_7 = arith.constant 80 : i32
    %barrier3A_8 = arith.constant 0 : index
    tpu.barrier barrier_id(%barrier3A_8)
    "tpu.region"() ({
      %run_scoped3A = tpu.sem_alloc : memref<!tpu.dma_semaphore, #tpu.memory_space<semaphore_mem>>
      %dma_start3A = arith.constant 0 : i32
      %dma_start3A_9 = tpu.memref_slice %arg5[%arg0, %mul3A_2, %dma_start3A] : memref<2x10112x128xf32, #tpu.memory_space<hbm>> -> memref<1x632x128xf32, #tpu.memory_space<hbm>>
      %dma_start3A_10 = tpu.memref_squeeze %dma_start3A_9 : memref<1x632x128xf32, #tpu.memory_space<hbm>> -> memref<632x128xf32, #tpu.memory_space<hbm>>
      %dma_start3A_11 = arith.constant 0 : i32
      %dma_start3A_12 = tpu.memref_slice %arg6[%mul3A_2, %dma_start3A_11] : memref<10112x128xf32, #tpu.memory_space<vmem_shared>> -> memref<632x128xf32, #tpu.memory_space<vmem_shared>>
      tpu.enqueue_dma source(%dma_start3A_12 : memref<632x128xf32, #tpu.memory_space<vmem_shared>>) target(%dma_start3A_10 : memref<632x128xf32, #tpu.memory_space<hbm>>) target_semaphore(%run_scoped3A : memref<!tpu.dma_semaphore, #tpu.memory_space<semaphore_mem>>)
      %dma_wait3A = arith.constant 0 : i32
      %dma_wait3A_13 = tpu.memref_slice %arg5[%arg0, %mul3A_2, %dma_wait3A] : memref<2x10112x128xf32, #tpu.memory_space<hbm>> -> memref<1x632x128xf32, #tpu.memory_space<hbm>>
      %dma_wait3A_14 = tpu.memref_squeeze %dma_wait3A_13 : memref<1x632x128xf32, #tpu.memory_space<hbm>> -> memref<632x128xf32, #tpu.memory_space<hbm>>
      %dma_wait3A_15 = arith.constant 0 : i32
      %dma_wait3A_16 = tpu.memref_slice %arg6[%mul3A_2, %dma_wait3A_15] : memref<10112x128xf32, #tpu.memory_space<vmem_shared>> -> memref<632x128xf32, #tpu.memory_space<vmem_shared>>
      tpu.wait_dma2 semaphore(%run_scoped3A : memref<!tpu.dma_semaphore, #tpu.memory_space<semaphore_mem>>) src(%dma_wait3A_16 : memref<632x128xf32, #tpu.memory_space<vmem_shared>>) dst(%dma_wait3A_14 : memref<632x128xf32, #tpu.memory_space<hbm>>)
      tpu.yield
    }) : () -> ()
    return
  }
}

#map = affine_map<(d0, d1) -> (0, 0)>
#map1 = affine_map<(d0, d1) -> (0, 0, 0)>
module attributes {stable_mosaic.version = 14 : i64} {
  func.func @mp_kernel(%arg0: i32, %arg1: i32, %arg2: memref<10000x128xf32, #tpu.memory_space<hbm>>, %arg3: memref<32x80x128xi32, #tpu.memory_space<hbm>>, %arg4: memref<32x80x128xi32, #tpu.memory_space<hbm>>, %arg5: memref<10112x128xf32, #tpu.memory_space<hbm>>, %arg6: memref<2x10112x128xf32, #tpu.memory_space<hbm>>, %arg7: memref<10112x128xf32, #tpu.memory_space<vmem_shared>>, %arg8: memref<40x128xi32, #tpu.memory_space<vmem>>, %arg9: memref<40x128xi32, #tpu.memory_space<vmem>>, %arg10: memref<128x128xf32, #tpu.memory_space<vmem>>, %arg11: memref<128x128xf32, #tpu.memory_space<vmem>>, %arg12: memref<!tpu.dma_semaphore, #tpu.memory_space<semaphore_mem>>, %arg13: memref<!tpu.dma_semaphore, #tpu.memory_space<semaphore_mem>>) attributes {dimension_semantics = [#tpu.dimension_semantics<core_parallel>, #tpu.dimension_semantics<subcore_parallel>], iteration_bounds = array<i64: 2, 16>, scalar_prefetch = 0 : i64, scratch_operands = 7 : i64, tpu.core_type = #tpu.core_type<sc_vector_subcore>, window_params = [{transform_indices = #map}, {transform_indices = #map1}, {transform_indices = #map1}, {transform_indices = #map}, {transform_indices = #map1}]} {
    %mul3A = arith.constant 16 : i32
    %mul3A_0 = arith.muli %arg0, %mul3A : i32
    %add3A = arith.addi %mul3A_0, %arg1 : i32
    %mul3A_1 = arith.constant 632 : i32
    %mul3A_2 = arith.muli %arg1, %mul3A_1 : i32
    "tpu.region"() ({
      %run_scoped3A = tpu.sem_alloc : memref<!tpu.dma_semaphore, #tpu.memory_space<semaphore_mem>>
      %dma_start3A_41 = arith.constant 0 : i32
      %dma_start3A_42 = tpu.memref_slice %arg7[%mul3A_2, %dma_start3A_41] : memref<10112x128xf32, #tpu.memory_space<vmem_shared>> -> memref<632x128xf32, #tpu.memory_space<vmem_shared>>
      %dma_start3A_43 = arith.constant 0 : i32
      %dma_start3A_44 = tpu.memref_slice %arg5[%mul3A_2, %dma_start3A_43] : memref<10112x128xf32, #tpu.memory_space<hbm>> -> memref<632x128xf32, #tpu.memory_space<hbm>>
      tpu.enqueue_dma source(%dma_start3A_44 : memref<632x128xf32, #tpu.memory_space<hbm>>) target(%dma_start3A_42 : memref<632x128xf32, #tpu.memory_space<vmem_shared>>) target_semaphore(%run_scoped3A : memref<!tpu.dma_semaphore, #tpu.memory_space<semaphore_mem>>)
      %dma_wait3A_45 = arith.constant 0 : i32
      %dma_wait3A_46 = tpu.memref_slice %arg7[%mul3A_2, %dma_wait3A_45] : memref<10112x128xf32, #tpu.memory_space<vmem_shared>> -> memref<632x128xf32, #tpu.memory_space<vmem_shared>>
      %dma_wait3A_47 = arith.constant 0 : i32
      %dma_wait3A_48 = tpu.memref_slice %arg5[%mul3A_2, %dma_wait3A_47] : memref<10112x128xf32, #tpu.memory_space<hbm>> -> memref<632x128xf32, #tpu.memory_space<hbm>>
      tpu.wait_dma2 semaphore(%run_scoped3A : memref<!tpu.dma_semaphore, #tpu.memory_space<semaphore_mem>>) src(%dma_wait3A_48 : memref<632x128xf32, #tpu.memory_space<hbm>>) dst(%dma_wait3A_46 : memref<632x128xf32, #tpu.memory_space<vmem_shared>>)
      tpu.yield
    }) : () -> ()
    %barrier3A = arith.constant 0 : index
    tpu.barrier barrier_id(%barrier3A)
    "tpu.region"() ({
      %run_scoped3A = tpu.sem_alloc : memref<!tpu.dma_semaphore, #tpu.memory_space<semaphore_mem>>
      %dma_start3A_41 = arith.constant 0 : i32
      %dma_start3A_42 = arith.constant 0 : i32
      %dma_start3A_43 = tpu.memref_slice %arg3[%add3A, %dma_start3A_41, %dma_start3A_42] : memref<32x80x128xi32, #tpu.memory_space<hbm>> -> memref<1x40x128xi32, #tpu.memory_space<hbm>>
      %dma_start3A_44 = tpu.memref_squeeze %dma_start3A_43 : memref<1x40x128xi32, #tpu.memory_space<hbm>> -> memref<40x128xi32, #tpu.memory_space<hbm>>
      %dma_start3A_45 = arith.constant 0 : i32
      %dma_start3A_46 = arith.constant 0 : i32
      %dma_start3A_47 = tpu.memref_slice %arg3[%add3A, %dma_start3A_45, %dma_start3A_46] : memref<32x80x128xi32, #tpu.memory_space<hbm>> -> memref<1x40x128xi32, #tpu.memory_space<hbm>>
      %dma_start3A_48 = tpu.memref_squeeze %dma_start3A_47 : memref<1x40x128xi32, #tpu.memory_space<hbm>> -> memref<40x128xi32, #tpu.memory_space<hbm>>
      tpu.enqueue_dma source(%dma_start3A_48 : memref<40x128xi32, #tpu.memory_space<hbm>>) target(%arg8 : memref<40x128xi32, #tpu.memory_space<vmem>>) target_semaphore(%run_scoped3A : memref<!tpu.dma_semaphore, #tpu.memory_space<semaphore_mem>>)
      %dma_wait3A_49 = arith.constant 0 : i32
      %dma_wait3A_50 = arith.constant 0 : i32
      %dma_wait3A_51 = tpu.memref_slice %arg3[%add3A, %dma_wait3A_49, %dma_wait3A_50] : memref<32x80x128xi32, #tpu.memory_space<hbm>> -> memref<1x40x128xi32, #tpu.memory_space<hbm>>
      %dma_wait3A_52 = tpu.memref_squeeze %dma_wait3A_51 : memref<1x40x128xi32, #tpu.memory_space<hbm>> -> memref<40x128xi32, #tpu.memory_space<hbm>>
      %dma_wait3A_53 = arith.constant 0 : i32
      %dma_wait3A_54 = arith.constant 0 : i32
      %dma_wait3A_55 = tpu.memref_slice %arg3[%add3A, %dma_wait3A_53, %dma_wait3A_54] : memref<32x80x128xi32, #tpu.memory_space<hbm>> -> memref<1x40x128xi32, #tpu.memory_space<hbm>>
      %dma_wait3A_56 = tpu.memref_squeeze %dma_wait3A_55 : memref<1x40x128xi32, #tpu.memory_space<hbm>> -> memref<40x128xi32, #tpu.memory_space<hbm>>
      tpu.wait_dma2 semaphore(%run_scoped3A : memref<!tpu.dma_semaphore, #tpu.memory_space<semaphore_mem>>) src(%dma_wait3A_56 : memref<40x128xi32, #tpu.memory_space<hbm>>) dst(%arg8 : memref<40x128xi32, #tpu.memory_space<vmem>>)
      tpu.yield
    }) : () -> ()
    "tpu.region"() ({
      %run_scoped3A = tpu.sem_alloc : memref<!tpu.dma_semaphore, #tpu.memory_space<semaphore_mem>>
      %dma_start3A_41 = arith.constant 0 : i32
      %dma_start3A_42 = arith.constant 0 : i32
      %dma_start3A_43 = tpu.memref_slice %arg4[%add3A, %dma_start3A_41, %dma_start3A_42] : memref<32x80x128xi32, #tpu.memory_space<hbm>> -> memref<1x40x128xi32, #tpu.memory_space<hbm>>
      %dma_start3A_44 = tpu.memref_squeeze %dma_start3A_43 : memref<1x40x128xi32, #tpu.memory_space<hbm>> -> memref<40x128xi32, #tpu.memory_space<hbm>>
      %dma_start3A_45 = arith.constant 0 : i32
      %dma_start3A_46 = arith.constant 0 : i32
      %dma_start3A_47 = tpu.memref_slice %arg4[%add3A, %dma_start3A_45, %dma_start3A_46] : memref<32x80x128xi32, #tpu.memory_space<hbm>> -> memref<1x40x128xi32, #tpu.memory_space<hbm>>
      %dma_start3A_48 = tpu.memref_squeeze %dma_start3A_47 : memref<1x40x128xi32, #tpu.memory_space<hbm>> -> memref<40x128xi32, #tpu.memory_space<hbm>>
      tpu.enqueue_dma source(%dma_start3A_48 : memref<40x128xi32, #tpu.memory_space<hbm>>) target(%arg9 : memref<40x128xi32, #tpu.memory_space<vmem>>) target_semaphore(%run_scoped3A : memref<!tpu.dma_semaphore, #tpu.memory_space<semaphore_mem>>)
      %dma_wait3A_49 = arith.constant 0 : i32
      %dma_wait3A_50 = arith.constant 0 : i32
      %dma_wait3A_51 = tpu.memref_slice %arg4[%add3A, %dma_wait3A_49, %dma_wait3A_50] : memref<32x80x128xi32, #tpu.memory_space<hbm>> -> memref<1x40x128xi32, #tpu.memory_space<hbm>>
      %dma_wait3A_52 = tpu.memref_squeeze %dma_wait3A_51 : memref<1x40x128xi32, #tpu.memory_space<hbm>> -> memref<40x128xi32, #tpu.memory_space<hbm>>
      %dma_wait3A_53 = arith.constant 0 : i32
      %dma_wait3A_54 = arith.constant 0 : i32
      %dma_wait3A_55 = tpu.memref_slice %arg4[%add3A, %dma_wait3A_53, %dma_wait3A_54] : memref<32x80x128xi32, #tpu.memory_space<hbm>> -> memref<1x40x128xi32, #tpu.memory_space<hbm>>
      %dma_wait3A_56 = tpu.memref_squeeze %dma_wait3A_55 : memref<1x40x128xi32, #tpu.memory_space<hbm>> -> memref<40x128xi32, #tpu.memory_space<hbm>>
      tpu.wait_dma2 semaphore(%run_scoped3A : memref<!tpu.dma_semaphore, #tpu.memory_space<semaphore_mem>>) src(%dma_wait3A_56 : memref<40x128xi32, #tpu.memory_space<hbm>>) dst(%arg9 : memref<40x128xi32, #tpu.memory_space<vmem>>)
      tpu.yield
    }) : () -> ()
    %dma_start3A = arith.constant 0 : i32
    %dma_start3A_3 = arith.constant 0 : i32
    %dma_start3A_4 = tpu.memref_slice %arg8[%dma_start3A, %dma_start3A_3] : memref<40x128xi32, #tpu.memory_space<vmem>> -> memref<1x128xi32, #tpu.memory_space<vmem>>
    %dma_start3A_5 = tpu.memref_squeeze %dma_start3A_4 : memref<1x128xi32, #tpu.memory_space<vmem>> -> memref<128xi32, #tpu.memory_space<vmem>>
    %dma_start3A_6 = arith.constant 0 : i32
    %dma_start3A_7 = arith.constant 0 : i32
    %dma_start3A_8 = tpu.memref_slice %arg2[%dma_start3A_6, %dma_start3A_7] : memref<10000x128xf32, #tpu.memory_space<hbm>> -> memref<10000x128xf32, #tpu.memory_space<hbm>>
    tpu.enqueue_indirect_dma source(%dma_start3A_8 : memref<10000x128xf32, #tpu.memory_space<hbm>>) target(%arg10 : memref<128x128xf32, #tpu.memory_space<vmem>>) offsets(%dma_start3A_5 : memref<128xi32, #tpu.memory_space<vmem>>) semaphore(%arg12 : memref<!tpu.dma_semaphore, #tpu.memory_space<semaphore_mem>>)
    %scan3A = arith.constant 0 : i32
    %scan3A_9 = arith.constant 0 : i32
    %scan3A_10 = arith.constant 20 : i32
    %scan3A_11 = arith.addi %scan3A_9, %scan3A_10 : i32
    %scan3A_12 = arith.constant 1 : i32
    scf.for %scan3A_41 = %scan3A_9 to %scan3A_11 step %scan3A_12  : i32 {
      %mul3A_42 = arith.constant 2 : i32
      %mul3A_43 = arith.muli %mul3A_42, %scan3A_41 : i32
      %dma_wait3A_44 = arith.constant 0 : i32
      %dma_wait3A_45 = arith.constant 0 : i32
      %dma_wait3A_46 = tpu.memref_slice %arg8[%dma_wait3A_44, %dma_wait3A_45] : memref<40x128xi32, #tpu.memory_space<vmem>> -> memref<1x128xi32, #tpu.memory_space<vmem>>
      %dma_wait3A_47 = tpu.memref_squeeze %dma_wait3A_46 : memref<1x128xi32, #tpu.memory_space<vmem>> -> memref<128xi32, #tpu.memory_space<vmem>>
      %dma_wait3A_48 = arith.constant 0 : i32
      %dma_wait3A_49 = arith.constant 0 : i32
      %dma_wait3A_50 = tpu.memref_slice %arg2[%dma_wait3A_48, %dma_wait3A_49] : memref<10000x128xf32, #tpu.memory_space<hbm>> -> memref<10000x128xf32, #tpu.memory_space<hbm>>
      tpu.wait_indirect_dma semaphore(%arg12 : memref<!tpu.dma_semaphore, #tpu.memory_space<semaphore_mem>>) src(%dma_wait3A_50 : memref<10000x128xf32, #tpu.memory_space<hbm>>) dst(%arg10 : memref<128x128xf32, #tpu.memory_space<vmem>>)
      %add3A_51 = arith.constant 1 : i32
      %add3A_52 = arith.addi %mul3A_43, %add3A_51 : i32
      %dma_start3A_53 = arith.constant 0 : i32
      %dma_start3A_54 = tpu.memref_slice %arg8[%add3A_52, %dma_start3A_53] : memref<40x128xi32, #tpu.memory_space<vmem>> -> memref<1x128xi32, #tpu.memory_space<vmem>>
      %dma_start3A_55 = tpu.memref_squeeze %dma_start3A_54 : memref<1x128xi32, #tpu.memory_space<vmem>> -> memref<128xi32, #tpu.memory_space<vmem>>
      %dma_start3A_56 = arith.constant 0 : i32
      %dma_start3A_57 = arith.constant 0 : i32
      %dma_start3A_58 = tpu.memref_slice %arg2[%dma_start3A_56, %dma_start3A_57] : memref<10000x128xf32, #tpu.memory_space<hbm>> -> memref<10000x128xf32, #tpu.memory_space<hbm>>
      tpu.enqueue_indirect_dma source(%dma_start3A_58 : memref<10000x128xf32, #tpu.memory_space<hbm>>) target(%arg11 : memref<128x128xf32, #tpu.memory_space<vmem>>) offsets(%dma_start3A_55 : memref<128xi32, #tpu.memory_space<vmem>>) semaphore(%arg13 : memref<!tpu.dma_semaphore, #tpu.memory_space<semaphore_mem>>)
      "tpu.region"() ({
        %run_scoped3A = tpu.sem_alloc : memref<!tpu.dma_semaphore, #tpu.memory_space<semaphore_mem>>
        %dma_start3A_79 = arith.constant 0 : i32
        %dma_start3A_80 = tpu.memref_slice %arg9[%mul3A_43, %dma_start3A_79] : memref<40x128xi32, #tpu.memory_space<vmem>> -> memref<1x128xi32, #tpu.memory_space<vmem>>
        %dma_start3A_81 = tpu.memref_squeeze %dma_start3A_80 : memref<1x128xi32, #tpu.memory_space<vmem>> -> memref<128xi32, #tpu.memory_space<vmem>>
        %dma_start3A_82 = arith.constant 0 : i32
        %dma_start3A_83 = arith.constant 0 : i32
        %dma_start3A_84 = tpu.memref_slice %arg7[%dma_start3A_82, %dma_start3A_83] : memref<10112x128xf32, #tpu.memory_space<vmem_shared>> -> memref<10112x128xf32, #tpu.memory_space<vmem_shared>>
        tpu.enqueue_indirect_dma source(%arg10 : memref<128x128xf32, #tpu.memory_space<vmem>>) target(%dma_start3A_84 : memref<10112x128xf32, #tpu.memory_space<vmem_shared>>) offsets(%dma_start3A_81 : memref<128xi32, #tpu.memory_space<vmem>>) semaphore(%run_scoped3A : memref<!tpu.dma_semaphore, #tpu.memory_space<semaphore_mem>>) {add = true}
        %dma_wait3A_85 = arith.constant 0 : i32
        %dma_wait3A_86 = tpu.memref_slice %arg9[%mul3A_43, %dma_wait3A_85] : memref<40x128xi32, #tpu.memory_space<vmem>> -> memref<1x128xi32, #tpu.memory_space<vmem>>
        %dma_wait3A_87 = tpu.memref_squeeze %dma_wait3A_86 : memref<1x128xi32, #tpu.memory_space<vmem>> -> memref<128xi32, #tpu.memory_space<vmem>>
        %dma_wait3A_88 = arith.constant 0 : i32
        %dma_wait3A_89 = arith.constant 0 : i32
        %dma_wait3A_90 = tpu.memref_slice %arg7[%dma_wait3A_88, %dma_wait3A_89] : memref<10112x128xf32, #tpu.memory_space<vmem_shared>> -> memref<10112x128xf32, #tpu.memory_space<vmem_shared>>
        tpu.wait_indirect_dma semaphore(%run_scoped3A : memref<!tpu.dma_semaphore, #tpu.memory_space<semaphore_mem>>) src(%arg10 : memref<128x128xf32, #tpu.memory_space<vmem>>) dst(%dma_wait3A_90 : memref<10112x128xf32, #tpu.memory_space<vmem_shared>>)
        tpu.yield
      }) : () -> ()
      %add3A_59 = arith.constant 2 : i32
      %add3A_60 = arith.addi %mul3A_43, %add3A_59 : i32
      %lt3A = arith.constant 40 : i32
      %lt3A_61 = arith.cmpi slt, %add3A_60, %lt3A : i32
      %add3A_62 = arith.constant 2 : i32
      %add3A_63 = arith.addi %mul3A_43, %add3A_62 : i32
      %jit3A = arith.constant 0 : i32
      %select_n3A = arith.select %lt3A_61, %add3A_63, %jit3A : i32
      %dma_wait3A_64 = arith.constant 0 : i32
      %dma_wait3A_65 = arith.constant 0 : i32
      %dma_wait3A_66 = tpu.memref_slice %arg8[%dma_wait3A_64, %dma_wait3A_65] : memref<40x128xi32, #tpu.memory_space<vmem>> -> memref<1x128xi32, #tpu.memory_space<vmem>>
      %dma_wait3A_67 = tpu.memref_squeeze %dma_wait3A_66 : memref<1x128xi32, #tpu.memory_space<vmem>> -> memref<128xi32, #tpu.memory_space<vmem>>
      %dma_wait3A_68 = arith.constant 0 : i32
      %dma_wait3A_69 = arith.constant 0 : i32
      %dma_wait3A_70 = tpu.memref_slice %arg2[%dma_wait3A_68, %dma_wait3A_69] : memref<10000x128xf32, #tpu.memory_space<hbm>> -> memref<10000x128xf32, #tpu.memory_space<hbm>>
      tpu.wait_indirect_dma semaphore(%arg13 : memref<!tpu.dma_semaphore, #tpu.memory_space<semaphore_mem>>) src(%dma_wait3A_70 : memref<10000x128xf32, #tpu.memory_space<hbm>>) dst(%arg11 : memref<128x128xf32, #tpu.memory_space<vmem>>)
      %dma_start3A_71 = arith.constant 0 : i32
      %dma_start3A_72 = tpu.memref_slice %arg8[%select_n3A, %dma_start3A_71] : memref<40x128xi32, #tpu.memory_space<vmem>> -> memref<1x128xi32, #tpu.memory_space<vmem>>
      %dma_start3A_73 = tpu.memref_squeeze %dma_start3A_72 : memref<1x128xi32, #tpu.memory_space<vmem>> -> memref<128xi32, #tpu.memory_space<vmem>>
      %dma_start3A_74 = arith.constant 0 : i32
      %dma_start3A_75 = arith.constant 0 : i32
      %dma_start3A_76 = tpu.memref_slice %arg2[%dma_start3A_74, %dma_start3A_75] : memref<10000x128xf32, #tpu.memory_space<hbm>> -> memref<10000x128xf32, #tpu.memory_space<hbm>>
      tpu.enqueue_indirect_dma source(%dma_start3A_76 : memref<10000x128xf32, #tpu.memory_space<hbm>>) target(%arg10 : memref<128x128xf32, #tpu.memory_space<vmem>>) offsets(%dma_start3A_73 : memref<128xi32, #tpu.memory_space<vmem>>) semaphore(%arg12 : memref<!tpu.dma_semaphore, #tpu.memory_space<semaphore_mem>>)
      %add3A_77 = arith.constant 1 : i32
      %add3A_78 = arith.addi %mul3A_43, %add3A_77 : i32
      "tpu.region"() ({
        %run_scoped3A = tpu.sem_alloc : memref<!tpu.dma_semaphore, #tpu.memory_space<semaphore_mem>>
        %dma_start3A_79 = arith.constant 0 : i32
        %dma_start3A_80 = tpu.memref_slice %arg9[%add3A_78, %dma_start3A_79] : memref<40x128xi32, #tpu.memory_space<vmem>> -> memref<1x128xi32, #tpu.memory_space<vmem>>
        %dma_start3A_81 = tpu.memref_squeeze %dma_start3A_80 : memref<1x128xi32, #tpu.memory_space<vmem>> -> memref<128xi32, #tpu.memory_space<vmem>>
        %dma_start3A_82 = arith.constant 0 : i32
        %dma_start3A_83 = arith.constant 0 : i32
        %dma_start3A_84 = tpu.memref_slice %arg7[%dma_start3A_82, %dma_start3A_83] : memref<10112x128xf32, #tpu.memory_space<vmem_shared>> -> memref<10112x128xf32, #tpu.memory_space<vmem_shared>>
        tpu.enqueue_indirect_dma source(%arg11 : memref<128x128xf32, #tpu.memory_space<vmem>>) target(%dma_start3A_84 : memref<10112x128xf32, #tpu.memory_space<vmem_shared>>) offsets(%dma_start3A_81 : memref<128xi32, #tpu.memory_space<vmem>>) semaphore(%run_scoped3A : memref<!tpu.dma_semaphore, #tpu.memory_space<semaphore_mem>>) {add = true}
        %dma_wait3A_85 = arith.constant 0 : i32
        %dma_wait3A_86 = tpu.memref_slice %arg9[%add3A_78, %dma_wait3A_85] : memref<40x128xi32, #tpu.memory_space<vmem>> -> memref<1x128xi32, #tpu.memory_space<vmem>>
        %dma_wait3A_87 = tpu.memref_squeeze %dma_wait3A_86 : memref<1x128xi32, #tpu.memory_space<vmem>> -> memref<128xi32, #tpu.memory_space<vmem>>
        %dma_wait3A_88 = arith.constant 0 : i32
        %dma_wait3A_89 = arith.constant 0 : i32
        %dma_wait3A_90 = tpu.memref_slice %arg7[%dma_wait3A_88, %dma_wait3A_89] : memref<10112x128xf32, #tpu.memory_space<vmem_shared>> -> memref<10112x128xf32, #tpu.memory_space<vmem_shared>>
        tpu.wait_indirect_dma semaphore(%run_scoped3A : memref<!tpu.dma_semaphore, #tpu.memory_space<semaphore_mem>>) src(%arg11 : memref<128x128xf32, #tpu.memory_space<vmem>>) dst(%dma_wait3A_90 : memref<10112x128xf32, #tpu.memory_space<vmem_shared>>)
        tpu.yield
      }) : () -> ()
    }
    %scan3A_13 = arith.constant 20 : i32
    %dma_wait3A = arith.constant 0 : i32
    %dma_wait3A_14 = arith.constant 0 : i32
    %dma_wait3A_15 = tpu.memref_slice %arg8[%dma_wait3A, %dma_wait3A_14] : memref<40x128xi32, #tpu.memory_space<vmem>> -> memref<1x128xi32, #tpu.memory_space<vmem>>
    %dma_wait3A_16 = tpu.memref_squeeze %dma_wait3A_15 : memref<1x128xi32, #tpu.memory_space<vmem>> -> memref<128xi32, #tpu.memory_space<vmem>>
    %dma_wait3A_17 = arith.constant 0 : i32
    %dma_wait3A_18 = arith.constant 0 : i32
    %dma_wait3A_19 = tpu.memref_slice %arg2[%dma_wait3A_17, %dma_wait3A_18] : memref<10000x128xf32, #tpu.memory_space<hbm>> -> memref<10000x128xf32, #tpu.memory_space<hbm>>
    tpu.wait_indirect_dma semaphore(%arg12 : memref<!tpu.dma_semaphore, #tpu.memory_space<semaphore_mem>>) src(%dma_wait3A_19 : memref<10000x128xf32, #tpu.memory_space<hbm>>) dst(%arg10 : memref<128x128xf32, #tpu.memory_space<vmem>>)
    "tpu.region"() ({
      %run_scoped3A = tpu.sem_alloc : memref<!tpu.dma_semaphore, #tpu.memory_space<semaphore_mem>>
      %dma_start3A_41 = arith.constant 40 : i32
      %dma_start3A_42 = arith.constant 0 : i32
      %dma_start3A_43 = tpu.memref_slice %arg3[%add3A, %dma_start3A_41, %dma_start3A_42] : memref<32x80x128xi32, #tpu.memory_space<hbm>> -> memref<1x40x128xi32, #tpu.memory_space<hbm>>
      %dma_start3A_44 = tpu.memref_squeeze %dma_start3A_43 : memref<1x40x128xi32, #tpu.memory_space<hbm>> -> memref<40x128xi32, #tpu.memory_space<hbm>>
      %dma_start3A_45 = arith.constant 40 : i32
      %dma_start3A_46 = arith.constant 0 : i32
      %dma_start3A_47 = tpu.memref_slice %arg3[%add3A, %dma_start3A_45, %dma_start3A_46] : memref<32x80x128xi32, #tpu.memory_space<hbm>> -> memref<1x40x128xi32, #tpu.memory_space<hbm>>
      %dma_start3A_48 = tpu.memref_squeeze %dma_start3A_47 : memref<1x40x128xi32, #tpu.memory_space<hbm>> -> memref<40x128xi32, #tpu.memory_space<hbm>>
      tpu.enqueue_dma source(%dma_start3A_48 : memref<40x128xi32, #tpu.memory_space<hbm>>) target(%arg8 : memref<40x128xi32, #tpu.memory_space<vmem>>) target_semaphore(%run_scoped3A : memref<!tpu.dma_semaphore, #tpu.memory_space<semaphore_mem>>)
      %dma_wait3A_49 = arith.constant 40 : i32
      %dma_wait3A_50 = arith.constant 0 : i32
      %dma_wait3A_51 = tpu.memref_slice %arg3[%add3A, %dma_wait3A_49, %dma_wait3A_50] : memref<32x80x128xi32, #tpu.memory_space<hbm>> -> memref<1x40x128xi32, #tpu.memory_space<hbm>>
      %dma_wait3A_52 = tpu.memref_squeeze %dma_wait3A_51 : memref<1x40x128xi32, #tpu.memory_space<hbm>> -> memref<40x128xi32, #tpu.memory_space<hbm>>
      %dma_wait3A_53 = arith.constant 40 : i32
      %dma_wait3A_54 = arith.constant 0 : i32
      %dma_wait3A_55 = tpu.memref_slice %arg3[%add3A, %dma_wait3A_53, %dma_wait3A_54] : memref<32x80x128xi32, #tpu.memory_space<hbm>> -> memref<1x40x128xi32, #tpu.memory_space<hbm>>
      %dma_wait3A_56 = tpu.memref_squeeze %dma_wait3A_55 : memref<1x40x128xi32, #tpu.memory_space<hbm>> -> memref<40x128xi32, #tpu.memory_space<hbm>>
      tpu.wait_dma2 semaphore(%run_scoped3A : memref<!tpu.dma_semaphore, #tpu.memory_space<semaphore_mem>>) src(%dma_wait3A_56 : memref<40x128xi32, #tpu.memory_space<hbm>>) dst(%arg8 : memref<40x128xi32, #tpu.memory_space<vmem>>)
      tpu.yield
    }) : () -> ()
    "tpu.region"() ({
      %run_scoped3A = tpu.sem_alloc : memref<!tpu.dma_semaphore, #tpu.memory_space<semaphore_mem>>
      %dma_start3A_41 = arith.constant 40 : i32
      %dma_start3A_42 = arith.constant 0 : i32
      %dma_start3A_43 = tpu.memref_slice %arg4[%add3A, %dma_start3A_41, %dma_start3A_42] : memref<32x80x128xi32, #tpu.memory_space<hbm>> -> memref<1x40x128xi32, #tpu.memory_space<hbm>>
      %dma_start3A_44 = tpu.memref_squeeze %dma_start3A_43 : memref<1x40x128xi32, #tpu.memory_space<hbm>> -> memref<40x128xi32, #tpu.memory_space<hbm>>
      %dma_start3A_45 = arith.constant 40 : i32
      %dma_start3A_46 = arith.constant 0 : i32
      %dma_start3A_47 = tpu.memref_slice %arg4[%add3A, %dma_start3A_45, %dma_start3A_46] : memref<32x80x128xi32, #tpu.memory_space<hbm>> -> memref<1x40x128xi32, #tpu.memory_space<hbm>>
      %dma_start3A_48 = tpu.memref_squeeze %dma_start3A_47 : memref<1x40x128xi32, #tpu.memory_space<hbm>> -> memref<40x128xi32, #tpu.memory_space<hbm>>
      tpu.enqueue_dma source(%dma_start3A_48 : memref<40x128xi32, #tpu.memory_space<hbm>>) target(%arg9 : memref<40x128xi32, #tpu.memory_space<vmem>>) target_semaphore(%run_scoped3A : memref<!tpu.dma_semaphore, #tpu.memory_space<semaphore_mem>>)
      %dma_wait3A_49 = arith.constant 40 : i32
      %dma_wait3A_50 = arith.constant 0 : i32
      %dma_wait3A_51 = tpu.memref_slice %arg4[%add3A, %dma_wait3A_49, %dma_wait3A_50] : memref<32x80x128xi32, #tpu.memory_space<hbm>> -> memref<1x40x128xi32, #tpu.memory_space<hbm>>
      %dma_wait3A_52 = tpu.memref_squeeze %dma_wait3A_51 : memref<1x40x128xi32, #tpu.memory_space<hbm>> -> memref<40x128xi32, #tpu.memory_space<hbm>>
      %dma_wait3A_53 = arith.constant 40 : i32
      %dma_wait3A_54 = arith.constant 0 : i32
      %dma_wait3A_55 = tpu.memref_slice %arg4[%add3A, %dma_wait3A_53, %dma_wait3A_54] : memref<32x80x128xi32, #tpu.memory_space<hbm>> -> memref<1x40x128xi32, #tpu.memory_space<hbm>>
      %dma_wait3A_56 = tpu.memref_squeeze %dma_wait3A_55 : memref<1x40x128xi32, #tpu.memory_space<hbm>> -> memref<40x128xi32, #tpu.memory_space<hbm>>
      tpu.wait_dma2 semaphore(%run_scoped3A : memref<!tpu.dma_semaphore, #tpu.memory_space<semaphore_mem>>) src(%dma_wait3A_56 : memref<40x128xi32, #tpu.memory_space<hbm>>) dst(%arg9 : memref<40x128xi32, #tpu.memory_space<vmem>>)
      tpu.yield
    }) : () -> ()
    %dma_start3A_20 = arith.constant 0 : i32
    %dma_start3A_21 = arith.constant 0 : i32
    %dma_start3A_22 = tpu.memref_slice %arg8[%dma_start3A_20, %dma_start3A_21] : memref<40x128xi32, #tpu.memory_space<vmem>> -> memref<1x128xi32, #tpu.memory_space<vmem>>
    %dma_start3A_23 = tpu.memref_squeeze %dma_start3A_22 : memref<1x128xi32, #tpu.memory_space<vmem>> -> memref<128xi32, #tpu.memory_space<vmem>>
    %dma_start3A_24 = arith.constant 0 : i32
    %dma_start3A_25 = arith.constant 0 : i32
    %dma_start3A_26 = tpu.memref_slice %arg2[%dma_start3A_24, %dma_start3A_25] : memref<10000x128xf32, #tpu.memory_space<hbm>> -> memref<10000x128xf32, #tpu.memory_space<hbm>>
    tpu.enqueue_indirect_dma source(%dma_start3A_26 : memref<10000x128xf32, #tpu.memory_space<hbm>>) target(%arg10 : memref<128x128xf32, #tpu.memory_space<vmem>>) offsets(%dma_start3A_23 : memref<128xi32, #tpu.memory_space<vmem>>) semaphore(%arg12 : memref<!tpu.dma_semaphore, #tpu.memory_space<semaphore_mem>>)
    %scan3A_27 = arith.constant 0 : i32
    %scan3A_28 = arith.constant 0 : i32
    %scan3A_29 = arith.constant 20 : i32
    %scan3A_30 = arith.addi %scan3A_28, %scan3A_29 : i32
    %scan3A_31 = arith.constant 1 : i32
    scf.for %scan3A_41 = %scan3A_28 to %scan3A_30 step %scan3A_31  : i32 {
      %mul3A_42 = arith.constant 2 : i32
      %mul3A_43 = arith.muli %mul3A_42, %scan3A_41 : i32
      %dma_wait3A_44 = arith.constant 0 : i32
      %dma_wait3A_45 = arith.constant 0 : i32
      %dma_wait3A_46 = tpu.memref_slice %arg8[%dma_wait3A_44, %dma_wait3A_45] : memref<40x128xi32, #tpu.memory_space<vmem>> -> memref<1x128xi32, #tpu.memory_space<vmem>>
      %dma_wait3A_47 = tpu.memref_squeeze %dma_wait3A_46 : memref<1x128xi32, #tpu.memory_space<vmem>> -> memref<128xi32, #tpu.memory_space<vmem>>
      %dma_wait3A_48 = arith.constant 0 : i32
      %dma_wait3A_49 = arith.constant 0 : i32
      %dma_wait3A_50 = tpu.memref_slice %arg2[%dma_wait3A_48, %dma_wait3A_49] : memref<10000x128xf32, #tpu.memory_space<hbm>> -> memref<10000x128xf32, #tpu.memory_space<hbm>>
      tpu.wait_indirect_dma semaphore(%arg12 : memref<!tpu.dma_semaphore, #tpu.memory_space<semaphore_mem>>) src(%dma_wait3A_50 : memref<10000x128xf32, #tpu.memory_space<hbm>>) dst(%arg10 : memref<128x128xf32, #tpu.memory_space<vmem>>)
      %add3A_51 = arith.constant 1 : i32
      %add3A_52 = arith.addi %mul3A_43, %add3A_51 : i32
      %dma_start3A_53 = arith.constant 0 : i32
      %dma_start3A_54 = tpu.memref_slice %arg8[%add3A_52, %dma_start3A_53] : memref<40x128xi32, #tpu.memory_space<vmem>> -> memref<1x128xi32, #tpu.memory_space<vmem>>
      %dma_start3A_55 = tpu.memref_squeeze %dma_start3A_54 : memref<1x128xi32, #tpu.memory_space<vmem>> -> memref<128xi32, #tpu.memory_space<vmem>>
      %dma_start3A_56 = arith.constant 0 : i32
      %dma_start3A_57 = arith.constant 0 : i32
      %dma_start3A_58 = tpu.memref_slice %arg2[%dma_start3A_56, %dma_start3A_57] : memref<10000x128xf32, #tpu.memory_space<hbm>> -> memref<10000x128xf32, #tpu.memory_space<hbm>>
      tpu.enqueue_indirect_dma source(%dma_start3A_58 : memref<10000x128xf32, #tpu.memory_space<hbm>>) target(%arg11 : memref<128x128xf32, #tpu.memory_space<vmem>>) offsets(%dma_start3A_55 : memref<128xi32, #tpu.memory_space<vmem>>) semaphore(%arg13 : memref<!tpu.dma_semaphore, #tpu.memory_space<semaphore_mem>>)
      "tpu.region"() ({
        %run_scoped3A = tpu.sem_alloc : memref<!tpu.dma_semaphore, #tpu.memory_space<semaphore_mem>>
        %dma_start3A_79 = arith.constant 0 : i32
        %dma_start3A_80 = tpu.memref_slice %arg9[%mul3A_43, %dma_start3A_79] : memref<40x128xi32, #tpu.memory_space<vmem>> -> memref<1x128xi32, #tpu.memory_space<vmem>>
        %dma_start3A_81 = tpu.memref_squeeze %dma_start3A_80 : memref<1x128xi32, #tpu.memory_space<vmem>> -> memref<128xi32, #tpu.memory_space<vmem>>
        %dma_start3A_82 = arith.constant 0 : i32
        %dma_start3A_83 = arith.constant 0 : i32
        %dma_start3A_84 = tpu.memref_slice %arg7[%dma_start3A_82, %dma_start3A_83] : memref<10112x128xf32, #tpu.memory_space<vmem_shared>> -> memref<10112x128xf32, #tpu.memory_space<vmem_shared>>
        tpu.enqueue_indirect_dma source(%arg10 : memref<128x128xf32, #tpu.memory_space<vmem>>) target(%dma_start3A_84 : memref<10112x128xf32, #tpu.memory_space<vmem_shared>>) offsets(%dma_start3A_81 : memref<128xi32, #tpu.memory_space<vmem>>) semaphore(%run_scoped3A : memref<!tpu.dma_semaphore, #tpu.memory_space<semaphore_mem>>) {add = true}
        %dma_wait3A_85 = arith.constant 0 : i32
        %dma_wait3A_86 = tpu.memref_slice %arg9[%mul3A_43, %dma_wait3A_85] : memref<40x128xi32, #tpu.memory_space<vmem>> -> memref<1x128xi32, #tpu.memory_space<vmem>>
        %dma_wait3A_87 = tpu.memref_squeeze %dma_wait3A_86 : memref<1x128xi32, #tpu.memory_space<vmem>> -> memref<128xi32, #tpu.memory_space<vmem>>
        %dma_wait3A_88 = arith.constant 0 : i32
        %dma_wait3A_89 = arith.constant 0 : i32
        %dma_wait3A_90 = tpu.memref_slice %arg7[%dma_wait3A_88, %dma_wait3A_89] : memref<10112x128xf32, #tpu.memory_space<vmem_shared>> -> memref<10112x128xf32, #tpu.memory_space<vmem_shared>>
        tpu.wait_indirect_dma semaphore(%run_scoped3A : memref<!tpu.dma_semaphore, #tpu.memory_space<semaphore_mem>>) src(%arg10 : memref<128x128xf32, #tpu.memory_space<vmem>>) dst(%dma_wait3A_90 : memref<10112x128xf32, #tpu.memory_space<vmem_shared>>)
        tpu.yield
      }) : () -> ()
      %add3A_59 = arith.constant 2 : i32
      %add3A_60 = arith.addi %mul3A_43, %add3A_59 : i32
      %lt3A = arith.constant 40 : i32
      %lt3A_61 = arith.cmpi slt, %add3A_60, %lt3A : i32
      %add3A_62 = arith.constant 2 : i32
      %add3A_63 = arith.addi %mul3A_43, %add3A_62 : i32
      %jit3A = arith.constant 0 : i32
      %select_n3A = arith.select %lt3A_61, %add3A_63, %jit3A : i32
      %dma_wait3A_64 = arith.constant 0 : i32
      %dma_wait3A_65 = arith.constant 0 : i32
      %dma_wait3A_66 = tpu.memref_slice %arg8[%dma_wait3A_64, %dma_wait3A_65] : memref<40x128xi32, #tpu.memory_space<vmem>> -> memref<1x128xi32, #tpu.memory_space<vmem>>
      %dma_wait3A_67 = tpu.memref_squeeze %dma_wait3A_66 : memref<1x128xi32, #tpu.memory_space<vmem>> -> memref<128xi32, #tpu.memory_space<vmem>>
      %dma_wait3A_68 = arith.constant 0 : i32
      %dma_wait3A_69 = arith.constant 0 : i32
      %dma_wait3A_70 = tpu.memref_slice %arg2[%dma_wait3A_68, %dma_wait3A_69] : memref<10000x128xf32, #tpu.memory_space<hbm>> -> memref<10000x128xf32, #tpu.memory_space<hbm>>
      tpu.wait_indirect_dma semaphore(%arg13 : memref<!tpu.dma_semaphore, #tpu.memory_space<semaphore_mem>>) src(%dma_wait3A_70 : memref<10000x128xf32, #tpu.memory_space<hbm>>) dst(%arg11 : memref<128x128xf32, #tpu.memory_space<vmem>>)
      %dma_start3A_71 = arith.constant 0 : i32
      %dma_start3A_72 = tpu.memref_slice %arg8[%select_n3A, %dma_start3A_71] : memref<40x128xi32, #tpu.memory_space<vmem>> -> memref<1x128xi32, #tpu.memory_space<vmem>>
      %dma_start3A_73 = tpu.memref_squeeze %dma_start3A_72 : memref<1x128xi32, #tpu.memory_space<vmem>> -> memref<128xi32, #tpu.memory_space<vmem>>
      %dma_start3A_74 = arith.constant 0 : i32
      %dma_start3A_75 = arith.constant 0 : i32
      %dma_start3A_76 = tpu.memref_slice %arg2[%dma_start3A_74, %dma_start3A_75] : memref<10000x128xf32, #tpu.memory_space<hbm>> -> memref<10000x128xf32, #tpu.memory_space<hbm>>
      tpu.enqueue_indirect_dma source(%dma_start3A_76 : memref<10000x128xf32, #tpu.memory_space<hbm>>) target(%arg10 : memref<128x128xf32, #tpu.memory_space<vmem>>) offsets(%dma_start3A_73 : memref<128xi32, #tpu.memory_space<vmem>>) semaphore(%arg12 : memref<!tpu.dma_semaphore, #tpu.memory_space<semaphore_mem>>)
      %add3A_77 = arith.constant 1 : i32
      %add3A_78 = arith.addi %mul3A_43, %add3A_77 : i32
      "tpu.region"() ({
        %run_scoped3A = tpu.sem_alloc : memref<!tpu.dma_semaphore, #tpu.memory_space<semaphore_mem>>
        %dma_start3A_79 = arith.constant 0 : i32
        %dma_start3A_80 = tpu.memref_slice %arg9[%add3A_78, %dma_start3A_79] : memref<40x128xi32, #tpu.memory_space<vmem>> -> memref<1x128xi32, #tpu.memory_space<vmem>>
        %dma_start3A_81 = tpu.memref_squeeze %dma_start3A_80 : memref<1x128xi32, #tpu.memory_space<vmem>> -> memref<128xi32, #tpu.memory_space<vmem>>
        %dma_start3A_82 = arith.constant 0 : i32
        %dma_start3A_83 = arith.constant 0 : i32
        %dma_start3A_84 = tpu.memref_slice %arg7[%dma_start3A_82, %dma_start3A_83] : memref<10112x128xf32, #tpu.memory_space<vmem_shared>> -> memref<10112x128xf32, #tpu.memory_space<vmem_shared>>
        tpu.enqueue_indirect_dma source(%arg11 : memref<128x128xf32, #tpu.memory_space<vmem>>) target(%dma_start3A_84 : memref<10112x128xf32, #tpu.memory_space<vmem_shared>>) offsets(%dma_start3A_81 : memref<128xi32, #tpu.memory_space<vmem>>) semaphore(%run_scoped3A : memref<!tpu.dma_semaphore, #tpu.memory_space<semaphore_mem>>) {add = true}
        %dma_wait3A_85 = arith.constant 0 : i32
        %dma_wait3A_86 = tpu.memref_slice %arg9[%add3A_78, %dma_wait3A_85] : memref<40x128xi32, #tpu.memory_space<vmem>> -> memref<1x128xi32, #tpu.memory_space<vmem>>
        %dma_wait3A_87 = tpu.memref_squeeze %dma_wait3A_86 : memref<1x128xi32, #tpu.memory_space<vmem>> -> memref<128xi32, #tpu.memory_space<vmem>>
        %dma_wait3A_88 = arith.constant 0 : i32
        %dma_wait3A_89 = arith.constant 0 : i32
        %dma_wait3A_90 = tpu.memref_slice %arg7[%dma_wait3A_88, %dma_wait3A_89] : memref<10112x128xf32, #tpu.memory_space<vmem_shared>> -> memref<10112x128xf32, #tpu.memory_space<vmem_shared>>
        tpu.wait_indirect_dma semaphore(%run_scoped3A : memref<!tpu.dma_semaphore, #tpu.memory_space<semaphore_mem>>) src(%arg11 : memref<128x128xf32, #tpu.memory_space<vmem>>) dst(%dma_wait3A_90 : memref<10112x128xf32, #tpu.memory_space<vmem_shared>>)
        tpu.yield
      }) : () -> ()
    }
    %scan3A_32 = arith.constant 20 : i32
    %dma_wait3A_33 = arith.constant 0 : i32
    %dma_wait3A_34 = arith.constant 0 : i32
    %dma_wait3A_35 = tpu.memref_slice %arg8[%dma_wait3A_33, %dma_wait3A_34] : memref<40x128xi32, #tpu.memory_space<vmem>> -> memref<1x128xi32, #tpu.memory_space<vmem>>
    %dma_wait3A_36 = tpu.memref_squeeze %dma_wait3A_35 : memref<1x128xi32, #tpu.memory_space<vmem>> -> memref<128xi32, #tpu.memory_space<vmem>>
    %dma_wait3A_37 = arith.constant 0 : i32
    %dma_wait3A_38 = arith.constant 0 : i32
    %dma_wait3A_39 = tpu.memref_slice %arg2[%dma_wait3A_37, %dma_wait3A_38] : memref<10000x128xf32, #tpu.memory_space<hbm>> -> memref<10000x128xf32, #tpu.memory_space<hbm>>
    tpu.wait_indirect_dma semaphore(%arg12 : memref<!tpu.dma_semaphore, #tpu.memory_space<semaphore_mem>>) src(%dma_wait3A_39 : memref<10000x128xf32, #tpu.memory_space<hbm>>) dst(%arg10 : memref<128x128xf32, #tpu.memory_space<vmem>>)
    %barrier3A_40 = arith.constant 0 : index
    tpu.barrier barrier_id(%barrier3A_40)
    "tpu.region"() ({
      %run_scoped3A = tpu.sem_alloc : memref<!tpu.dma_semaphore, #tpu.memory_space<semaphore_mem>>
      %dma_start3A_41 = arith.constant 0 : i32
      %dma_start3A_42 = tpu.memref_slice %arg6[%arg0, %mul3A_2, %dma_start3A_41] : memref<2x10112x128xf32, #tpu.memory_space<hbm>> -> memref<1x632x128xf32, #tpu.memory_space<hbm>>
      %dma_start3A_43 = tpu.memref_squeeze %dma_start3A_42 : memref<1x632x128xf32, #tpu.memory_space<hbm>> -> memref<632x128xf32, #tpu.memory_space<hbm>>
      %dma_start3A_44 = arith.constant 0 : i32
      %dma_start3A_45 = tpu.memref_slice %arg7[%mul3A_2, %dma_start3A_44] : memref<10112x128xf32, #tpu.memory_space<vmem_shared>> -> memref<632x128xf32, #tpu.memory_space<vmem_shared>>
      tpu.enqueue_dma source(%dma_start3A_45 : memref<632x128xf32, #tpu.memory_space<vmem_shared>>) target(%dma_start3A_43 : memref<632x128xf32, #tpu.memory_space<hbm>>) target_semaphore(%run_scoped3A : memref<!tpu.dma_semaphore, #tpu.memory_space<semaphore_mem>>)
      %dma_wait3A_46 = arith.constant 0 : i32
      %dma_wait3A_47 = tpu.memref_slice %arg6[%arg0, %mul3A_2, %dma_wait3A_46] : memref<2x10112x128xf32, #tpu.memory_space<hbm>> -> memref<1x632x128xf32, #tpu.memory_space<hbm>>
      %dma_wait3A_48 = tpu.memref_squeeze %dma_wait3A_47 : memref<1x632x128xf32, #tpu.memory_space<hbm>> -> memref<632x128xf32, #tpu.memory_space<hbm>>
      %dma_wait3A_49 = arith.constant 0 : i32
      %dma_wait3A_50 = tpu.memref_slice %arg7[%mul3A_2, %dma_wait3A_49] : memref<10112x128xf32, #tpu.memory_space<vmem_shared>> -> memref<632x128xf32, #tpu.memory_space<vmem_shared>>
      tpu.wait_dma2 semaphore(%run_scoped3A : memref<!tpu.dma_semaphore, #tpu.memory_space<semaphore_mem>>) src(%dma_wait3A_50 : memref<632x128xf32, #tpu.memory_space<vmem_shared>>) dst(%dma_wait3A_48 : memref<632x128xf32, #tpu.memory_space<hbm>>)
      tpu.yield
    }) : () -> ()
    return
  }
}

#map = affine_map<(d0, d1) -> (0, 0)>
#map1 = affine_map<(d0, d1) -> (0, 0, 0)>
module attributes {stable_mosaic.version = 14 : i64} {
  func.func @mp_kernel(%arg0: i32, %arg1: i32, %arg2: memref<10000x128xf32, #tpu.memory_space<hbm>>, %arg3: memref<32x80x128xi32, #tpu.memory_space<hbm>>, %arg4: memref<32x80x128xi32, #tpu.memory_space<hbm>>, %arg5: memref<10112x128xf32, #tpu.memory_space<hbm>>, %arg6: memref<2x10112x128xf32, #tpu.memory_space<hbm>>, %arg7: memref<10112x128xf32, #tpu.memory_space<vmem_shared>>, %arg8: memref<40x128xi32, #tpu.memory_space<vmem>>, %arg9: memref<40x128xi32, #tpu.memory_space<vmem>>, %arg10: memref<128x128xf32, #tpu.memory_space<vmem>>, %arg11: memref<128x128xf32, #tpu.memory_space<vmem>>, %arg12: memref<!tpu.dma_semaphore, #tpu.memory_space<semaphore_mem>>, %arg13: memref<!tpu.dma_semaphore, #tpu.memory_space<semaphore_mem>>) attributes {dimension_semantics = [#tpu.dimension_semantics<core_parallel>, #tpu.dimension_semantics<subcore_parallel>], iteration_bounds = array<i64: 2, 16>, scalar_prefetch = 0 : i64, scratch_operands = 7 : i64, tpu.core_type = #tpu.core_type<sc_vector_subcore>, window_params = [{transform_indices = #map}, {transform_indices = #map1}, {transform_indices = #map1}, {transform_indices = #map}, {transform_indices = #map1}]} {
    %mul3A = arith.constant 16 : i32
    %mul3A_0 = arith.muli %arg0, %mul3A : i32
    %add3A = arith.addi %mul3A_0, %arg1 : i32
    %mul3A_1 = arith.constant 632 : i32
    %mul3A_2 = arith.muli %arg1, %mul3A_1 : i32
    "tpu.region"() ({
      %run_scoped3A = tpu.sem_alloc : memref<!tpu.dma_semaphore, #tpu.memory_space<semaphore_mem>>
      %dma_start3A_41 = arith.constant 0 : i32
      %dma_start3A_42 = tpu.memref_slice %arg7[%mul3A_2, %dma_start3A_41] : memref<10112x128xf32, #tpu.memory_space<vmem_shared>> -> memref<632x128xf32, #tpu.memory_space<vmem_shared>>
      %dma_start3A_43 = arith.constant 0 : i32
      %dma_start3A_44 = tpu.memref_slice %arg5[%mul3A_2, %dma_start3A_43] : memref<10112x128xf32, #tpu.memory_space<hbm>> -> memref<632x128xf32, #tpu.memory_space<hbm>>
      tpu.enqueue_dma source(%dma_start3A_44 : memref<632x128xf32, #tpu.memory_space<hbm>>) target(%dma_start3A_42 : memref<632x128xf32, #tpu.memory_space<vmem_shared>>) target_semaphore(%run_scoped3A : memref<!tpu.dma_semaphore, #tpu.memory_space<semaphore_mem>>)
      %dma_wait3A_45 = arith.constant 0 : i32
      %dma_wait3A_46 = tpu.memref_slice %arg7[%mul3A_2, %dma_wait3A_45] : memref<10112x128xf32, #tpu.memory_space<vmem_shared>> -> memref<632x128xf32, #tpu.memory_space<vmem_shared>>
      %dma_wait3A_47 = arith.constant 0 : i32
      %dma_wait3A_48 = tpu.memref_slice %arg5[%mul3A_2, %dma_wait3A_47] : memref<10112x128xf32, #tpu.memory_space<hbm>> -> memref<632x128xf32, #tpu.memory_space<hbm>>
      tpu.wait_dma2 semaphore(%run_scoped3A : memref<!tpu.dma_semaphore, #tpu.memory_space<semaphore_mem>>) src(%dma_wait3A_48 : memref<632x128xf32, #tpu.memory_space<hbm>>) dst(%dma_wait3A_46 : memref<632x128xf32, #tpu.memory_space<vmem_shared>>)
      tpu.yield
    }) : () -> ()
    %barrier3A = arith.constant 0 : index
    tpu.barrier barrier_id(%barrier3A)
    "tpu.region"() ({
      %run_scoped3A = tpu.sem_alloc : memref<!tpu.dma_semaphore, #tpu.memory_space<semaphore_mem>>
      %dma_start3A_41 = arith.constant 0 : i32
      %dma_start3A_42 = arith.constant 0 : i32
      %dma_start3A_43 = tpu.memref_slice %arg3[%add3A, %dma_start3A_41, %dma_start3A_42] : memref<32x80x128xi32, #tpu.memory_space<hbm>> -> memref<1x40x128xi32, #tpu.memory_space<hbm>>
      %dma_start3A_44 = tpu.memref_squeeze %dma_start3A_43 : memref<1x40x128xi32, #tpu.memory_space<hbm>> -> memref<40x128xi32, #tpu.memory_space<hbm>>
      %dma_start3A_45 = arith.constant 0 : i32
      %dma_start3A_46 = arith.constant 0 : i32
      %dma_start3A_47 = tpu.memref_slice %arg3[%add3A, %dma_start3A_45, %dma_start3A_46] : memref<32x80x128xi32, #tpu.memory_space<hbm>> -> memref<1x40x128xi32, #tpu.memory_space<hbm>>
      %dma_start3A_48 = tpu.memref_squeeze %dma_start3A_47 : memref<1x40x128xi32, #tpu.memory_space<hbm>> -> memref<40x128xi32, #tpu.memory_space<hbm>>
      tpu.enqueue_dma source(%dma_start3A_48 : memref<40x128xi32, #tpu.memory_space<hbm>>) target(%arg8 : memref<40x128xi32, #tpu.memory_space<vmem>>) target_semaphore(%run_scoped3A : memref<!tpu.dma_semaphore, #tpu.memory_space<semaphore_mem>>)
      %dma_wait3A_49 = arith.constant 0 : i32
      %dma_wait3A_50 = arith.constant 0 : i32
      %dma_wait3A_51 = tpu.memref_slice %arg3[%add3A, %dma_wait3A_49, %dma_wait3A_50] : memref<32x80x128xi32, #tpu.memory_space<hbm>> -> memref<1x40x128xi32, #tpu.memory_space<hbm>>
      %dma_wait3A_52 = tpu.memref_squeeze %dma_wait3A_51 : memref<1x40x128xi32, #tpu.memory_space<hbm>> -> memref<40x128xi32, #tpu.memory_space<hbm>>
      %dma_wait3A_53 = arith.constant 0 : i32
      %dma_wait3A_54 = arith.constant 0 : i32
      %dma_wait3A_55 = tpu.memref_slice %arg3[%add3A, %dma_wait3A_53, %dma_wait3A_54] : memref<32x80x128xi32, #tpu.memory_space<hbm>> -> memref<1x40x128xi32, #tpu.memory_space<hbm>>
      %dma_wait3A_56 = tpu.memref_squeeze %dma_wait3A_55 : memref<1x40x128xi32, #tpu.memory_space<hbm>> -> memref<40x128xi32, #tpu.memory_space<hbm>>
      tpu.wait_dma2 semaphore(%run_scoped3A : memref<!tpu.dma_semaphore, #tpu.memory_space<semaphore_mem>>) src(%dma_wait3A_56 : memref<40x128xi32, #tpu.memory_space<hbm>>) dst(%arg8 : memref<40x128xi32, #tpu.memory_space<vmem>>)
      tpu.yield
    }) : () -> ()
    "tpu.region"() ({
      %run_scoped3A = tpu.sem_alloc : memref<!tpu.dma_semaphore, #tpu.memory_space<semaphore_mem>>
      %dma_start3A_41 = arith.constant 0 : i32
      %dma_start3A_42 = arith.constant 0 : i32
      %dma_start3A_43 = tpu.memref_slice %arg4[%add3A, %dma_start3A_41, %dma_start3A_42] : memref<32x80x128xi32, #tpu.memory_space<hbm>> -> memref<1x40x128xi32, #tpu.memory_space<hbm>>
      %dma_start3A_44 = tpu.memref_squeeze %dma_start3A_43 : memref<1x40x128xi32, #tpu.memory_space<hbm>> -> memref<40x128xi32, #tpu.memory_space<hbm>>
      %dma_start3A_45 = arith.constant 0 : i32
      %dma_start3A_46 = arith.constant 0 : i32
      %dma_start3A_47 = tpu.memref_slice %arg4[%add3A, %dma_start3A_45, %dma_start3A_46] : memref<32x80x128xi32, #tpu.memory_space<hbm>> -> memref<1x40x128xi32, #tpu.memory_space<hbm>>
      %dma_start3A_48 = tpu.memref_squeeze %dma_start3A_47 : memref<1x40x128xi32, #tpu.memory_space<hbm>> -> memref<40x128xi32, #tpu.memory_space<hbm>>
      tpu.enqueue_dma source(%dma_start3A_48 : memref<40x128xi32, #tpu.memory_space<hbm>>) target(%arg9 : memref<40x128xi32, #tpu.memory_space<vmem>>) target_semaphore(%run_scoped3A : memref<!tpu.dma_semaphore, #tpu.memory_space<semaphore_mem>>)
      %dma_wait3A_49 = arith.constant 0 : i32
      %dma_wait3A_50 = arith.constant 0 : i32
      %dma_wait3A_51 = tpu.memref_slice %arg4[%add3A, %dma_wait3A_49, %dma_wait3A_50] : memref<32x80x128xi32, #tpu.memory_space<hbm>> -> memref<1x40x128xi32, #tpu.memory_space<hbm>>
      %dma_wait3A_52 = tpu.memref_squeeze %dma_wait3A_51 : memref<1x40x128xi32, #tpu.memory_space<hbm>> -> memref<40x128xi32, #tpu.memory_space<hbm>>
      %dma_wait3A_53 = arith.constant 0 : i32
      %dma_wait3A_54 = arith.constant 0 : i32
      %dma_wait3A_55 = tpu.memref_slice %arg4[%add3A, %dma_wait3A_53, %dma_wait3A_54] : memref<32x80x128xi32, #tpu.memory_space<hbm>> -> memref<1x40x128xi32, #tpu.memory_space<hbm>>
      %dma_wait3A_56 = tpu.memref_squeeze %dma_wait3A_55 : memref<1x40x128xi32, #tpu.memory_space<hbm>> -> memref<40x128xi32, #tpu.memory_space<hbm>>
      tpu.wait_dma2 semaphore(%run_scoped3A : memref<!tpu.dma_semaphore, #tpu.memory_space<semaphore_mem>>) src(%dma_wait3A_56 : memref<40x128xi32, #tpu.memory_space<hbm>>) dst(%arg9 : memref<40x128xi32, #tpu.memory_space<vmem>>)
      tpu.yield
    }) : () -> ()
    %dma_start3A = arith.constant 0 : i32
    %dma_start3A_3 = arith.constant 0 : i32
    %dma_start3A_4 = tpu.memref_slice %arg8[%dma_start3A, %dma_start3A_3] : memref<40x128xi32, #tpu.memory_space<vmem>> -> memref<1x128xi32, #tpu.memory_space<vmem>>
    %dma_start3A_5 = tpu.memref_squeeze %dma_start3A_4 : memref<1x128xi32, #tpu.memory_space<vmem>> -> memref<128xi32, #tpu.memory_space<vmem>>
    %dma_start3A_6 = arith.constant 0 : i32
    %dma_start3A_7 = arith.constant 0 : i32
    %dma_start3A_8 = tpu.memref_slice %arg2[%dma_start3A_6, %dma_start3A_7] : memref<10000x128xf32, #tpu.memory_space<hbm>> -> memref<10000x128xf32, #tpu.memory_space<hbm>>
    tpu.enqueue_indirect_dma source(%dma_start3A_8 : memref<10000x128xf32, #tpu.memory_space<hbm>>) target(%arg10 : memref<128x128xf32, #tpu.memory_space<vmem>>) offsets(%dma_start3A_5 : memref<128xi32, #tpu.memory_space<vmem>>) semaphore(%arg12 : memref<!tpu.dma_semaphore, #tpu.memory_space<semaphore_mem>>)
    %scan3A = arith.constant 0 : i32
    %scan3A_9 = arith.constant 0 : i32
    %scan3A_10 = arith.constant 20 : i32
    %scan3A_11 = arith.addi %scan3A_9, %scan3A_10 : i32
    %scan3A_12 = arith.constant 1 : i32
    scf.for %scan3A_41 = %scan3A_9 to %scan3A_11 step %scan3A_12  : i32 {
      %mul3A_42 = arith.constant 2 : i32
      %mul3A_43 = arith.muli %mul3A_42, %scan3A_41 : i32
      %dma_wait3A_44 = arith.constant 0 : i32
      %dma_wait3A_45 = arith.constant 0 : i32
      %dma_wait3A_46 = tpu.memref_slice %arg8[%dma_wait3A_44, %dma_wait3A_45] : memref<40x128xi32, #tpu.memory_space<vmem>> -> memref<1x128xi32, #tpu.memory_space<vmem>>
      %dma_wait3A_47 = tpu.memref_squeeze %dma_wait3A_46 : memref<1x128xi32, #tpu.memory_space<vmem>> -> memref<128xi32, #tpu.memory_space<vmem>>
      %dma_wait3A_48 = arith.constant 0 : i32
      %dma_wait3A_49 = arith.constant 0 : i32
      %dma_wait3A_50 = tpu.memref_slice %arg2[%dma_wait3A_48, %dma_wait3A_49] : memref<10000x128xf32, #tpu.memory_space<hbm>> -> memref<10000x128xf32, #tpu.memory_space<hbm>>
      tpu.wait_indirect_dma semaphore(%arg12 : memref<!tpu.dma_semaphore, #tpu.memory_space<semaphore_mem>>) src(%dma_wait3A_50 : memref<10000x128xf32, #tpu.memory_space<hbm>>) dst(%arg10 : memref<128x128xf32, #tpu.memory_space<vmem>>)
      %add3A_51 = arith.constant 1 : i32
      %add3A_52 = arith.addi %mul3A_43, %add3A_51 : i32
      %dma_start3A_53 = arith.constant 0 : i32
      %dma_start3A_54 = tpu.memref_slice %arg8[%add3A_52, %dma_start3A_53] : memref<40x128xi32, #tpu.memory_space<vmem>> -> memref<1x128xi32, #tpu.memory_space<vmem>>
      %dma_start3A_55 = tpu.memref_squeeze %dma_start3A_54 : memref<1x128xi32, #tpu.memory_space<vmem>> -> memref<128xi32, #tpu.memory_space<vmem>>
      %dma_start3A_56 = arith.constant 0 : i32
      %dma_start3A_57 = arith.constant 0 : i32
      %dma_start3A_58 = tpu.memref_slice %arg2[%dma_start3A_56, %dma_start3A_57] : memref<10000x128xf32, #tpu.memory_space<hbm>> -> memref<10000x128xf32, #tpu.memory_space<hbm>>
      tpu.enqueue_indirect_dma source(%dma_start3A_58 : memref<10000x128xf32, #tpu.memory_space<hbm>>) target(%arg11 : memref<128x128xf32, #tpu.memory_space<vmem>>) offsets(%dma_start3A_55 : memref<128xi32, #tpu.memory_space<vmem>>) semaphore(%arg13 : memref<!tpu.dma_semaphore, #tpu.memory_space<semaphore_mem>>)
      "tpu.region"() ({
        %run_scoped3A = tpu.sem_alloc : memref<!tpu.dma_semaphore, #tpu.memory_space<semaphore_mem>>
        %dma_start3A_79 = arith.constant 0 : i32
        %dma_start3A_80 = tpu.memref_slice %arg9[%mul3A_43, %dma_start3A_79] : memref<40x128xi32, #tpu.memory_space<vmem>> -> memref<1x128xi32, #tpu.memory_space<vmem>>
        %dma_start3A_81 = tpu.memref_squeeze %dma_start3A_80 : memref<1x128xi32, #tpu.memory_space<vmem>> -> memref<128xi32, #tpu.memory_space<vmem>>
        %dma_start3A_82 = arith.constant 0 : i32
        %dma_start3A_83 = arith.constant 0 : i32
        %dma_start3A_84 = tpu.memref_slice %arg7[%dma_start3A_82, %dma_start3A_83] : memref<10112x128xf32, #tpu.memory_space<vmem_shared>> -> memref<10112x128xf32, #tpu.memory_space<vmem_shared>>
        tpu.enqueue_indirect_dma source(%arg10 : memref<128x128xf32, #tpu.memory_space<vmem>>) target(%dma_start3A_84 : memref<10112x128xf32, #tpu.memory_space<vmem_shared>>) offsets(%dma_start3A_81 : memref<128xi32, #tpu.memory_space<vmem>>) semaphore(%run_scoped3A : memref<!tpu.dma_semaphore, #tpu.memory_space<semaphore_mem>>) {add = true}
        %dma_wait3A_85 = arith.constant 0 : i32
        %dma_wait3A_86 = tpu.memref_slice %arg9[%mul3A_43, %dma_wait3A_85] : memref<40x128xi32, #tpu.memory_space<vmem>> -> memref<1x128xi32, #tpu.memory_space<vmem>>
        %dma_wait3A_87 = tpu.memref_squeeze %dma_wait3A_86 : memref<1x128xi32, #tpu.memory_space<vmem>> -> memref<128xi32, #tpu.memory_space<vmem>>
        %dma_wait3A_88 = arith.constant 0 : i32
        %dma_wait3A_89 = arith.constant 0 : i32
        %dma_wait3A_90 = tpu.memref_slice %arg7[%dma_wait3A_88, %dma_wait3A_89] : memref<10112x128xf32, #tpu.memory_space<vmem_shared>> -> memref<10112x128xf32, #tpu.memory_space<vmem_shared>>
        tpu.wait_indirect_dma semaphore(%run_scoped3A : memref<!tpu.dma_semaphore, #tpu.memory_space<semaphore_mem>>) src(%arg10 : memref<128x128xf32, #tpu.memory_space<vmem>>) dst(%dma_wait3A_90 : memref<10112x128xf32, #tpu.memory_space<vmem_shared>>)
        tpu.yield
      }) : () -> ()
      %add3A_59 = arith.constant 2 : i32
      %add3A_60 = arith.addi %mul3A_43, %add3A_59 : i32
      %lt3A = arith.constant 40 : i32
      %lt3A_61 = arith.cmpi slt, %add3A_60, %lt3A : i32
      %add3A_62 = arith.constant 2 : i32
      %add3A_63 = arith.addi %mul3A_43, %add3A_62 : i32
      %jit3A = arith.constant 0 : i32
      %select_n3A = arith.select %lt3A_61, %add3A_63, %jit3A : i32
      %dma_wait3A_64 = arith.constant 0 : i32
      %dma_wait3A_65 = arith.constant 0 : i32
      %dma_wait3A_66 = tpu.memref_slice %arg8[%dma_wait3A_64, %dma_wait3A_65] : memref<40x128xi32, #tpu.memory_space<vmem>> -> memref<1x128xi32, #tpu.memory_space<vmem>>
      %dma_wait3A_67 = tpu.memref_squeeze %dma_wait3A_66 : memref<1x128xi32, #tpu.memory_space<vmem>> -> memref<128xi32, #tpu.memory_space<vmem>>
      %dma_wait3A_68 = arith.constant 0 : i32
      %dma_wait3A_69 = arith.constant 0 : i32
      %dma_wait3A_70 = tpu.memref_slice %arg2[%dma_wait3A_68, %dma_wait3A_69] : memref<10000x128xf32, #tpu.memory_space<hbm>> -> memref<10000x128xf32, #tpu.memory_space<hbm>>
      tpu.wait_indirect_dma semaphore(%arg13 : memref<!tpu.dma_semaphore, #tpu.memory_space<semaphore_mem>>) src(%dma_wait3A_70 : memref<10000x128xf32, #tpu.memory_space<hbm>>) dst(%arg11 : memref<128x128xf32, #tpu.memory_space<vmem>>)
      %dma_start3A_71 = arith.constant 0 : i32
      %dma_start3A_72 = tpu.memref_slice %arg8[%select_n3A, %dma_start3A_71] : memref<40x128xi32, #tpu.memory_space<vmem>> -> memref<1x128xi32, #tpu.memory_space<vmem>>
      %dma_start3A_73 = tpu.memref_squeeze %dma_start3A_72 : memref<1x128xi32, #tpu.memory_space<vmem>> -> memref<128xi32, #tpu.memory_space<vmem>>
      %dma_start3A_74 = arith.constant 0 : i32
      %dma_start3A_75 = arith.constant 0 : i32
      %dma_start3A_76 = tpu.memref_slice %arg2[%dma_start3A_74, %dma_start3A_75] : memref<10000x128xf32, #tpu.memory_space<hbm>> -> memref<10000x128xf32, #tpu.memory_space<hbm>>
      tpu.enqueue_indirect_dma source(%dma_start3A_76 : memref<10000x128xf32, #tpu.memory_space<hbm>>) target(%arg10 : memref<128x128xf32, #tpu.memory_space<vmem>>) offsets(%dma_start3A_73 : memref<128xi32, #tpu.memory_space<vmem>>) semaphore(%arg12 : memref<!tpu.dma_semaphore, #tpu.memory_space<semaphore_mem>>)
      %add3A_77 = arith.constant 1 : i32
      %add3A_78 = arith.addi %mul3A_43, %add3A_77 : i32
      "tpu.region"() ({
        %run_scoped3A = tpu.sem_alloc : memref<!tpu.dma_semaphore, #tpu.memory_space<semaphore_mem>>
        %dma_start3A_79 = arith.constant 0 : i32
        %dma_start3A_80 = tpu.memref_slice %arg9[%add3A_78, %dma_start3A_79] : memref<40x128xi32, #tpu.memory_space<vmem>> -> memref<1x128xi32, #tpu.memory_space<vmem>>
        %dma_start3A_81 = tpu.memref_squeeze %dma_start3A_80 : memref<1x128xi32, #tpu.memory_space<vmem>> -> memref<128xi32, #tpu.memory_space<vmem>>
        %dma_start3A_82 = arith.constant 0 : i32
        %dma_start3A_83 = arith.constant 0 : i32
        %dma_start3A_84 = tpu.memref_slice %arg7[%dma_start3A_82, %dma_start3A_83] : memref<10112x128xf32, #tpu.memory_space<vmem_shared>> -> memref<10112x128xf32, #tpu.memory_space<vmem_shared>>
        tpu.enqueue_indirect_dma source(%arg11 : memref<128x128xf32, #tpu.memory_space<vmem>>) target(%dma_start3A_84 : memref<10112x128xf32, #tpu.memory_space<vmem_shared>>) offsets(%dma_start3A_81 : memref<128xi32, #tpu.memory_space<vmem>>) semaphore(%run_scoped3A : memref<!tpu.dma_semaphore, #tpu.memory_space<semaphore_mem>>) {add = true}
        %dma_wait3A_85 = arith.constant 0 : i32
        %dma_wait3A_86 = tpu.memref_slice %arg9[%add3A_78, %dma_wait3A_85] : memref<40x128xi32, #tpu.memory_space<vmem>> -> memref<1x128xi32, #tpu.memory_space<vmem>>
        %dma_wait3A_87 = tpu.memref_squeeze %dma_wait3A_86 : memref<1x128xi32, #tpu.memory_space<vmem>> -> memref<128xi32, #tpu.memory_space<vmem>>
        %dma_wait3A_88 = arith.constant 0 : i32
        %dma_wait3A_89 = arith.constant 0 : i32
        %dma_wait3A_90 = tpu.memref_slice %arg7[%dma_wait3A_88, %dma_wait3A_89] : memref<10112x128xf32, #tpu.memory_space<vmem_shared>> -> memref<10112x128xf32, #tpu.memory_space<vmem_shared>>
        tpu.wait_indirect_dma semaphore(%run_scoped3A : memref<!tpu.dma_semaphore, #tpu.memory_space<semaphore_mem>>) src(%arg11 : memref<128x128xf32, #tpu.memory_space<vmem>>) dst(%dma_wait3A_90 : memref<10112x128xf32, #tpu.memory_space<vmem_shared>>)
        tpu.yield
      }) : () -> ()
    }
    %scan3A_13 = arith.constant 20 : i32
    %dma_wait3A = arith.constant 0 : i32
    %dma_wait3A_14 = arith.constant 0 : i32
    %dma_wait3A_15 = tpu.memref_slice %arg8[%dma_wait3A, %dma_wait3A_14] : memref<40x128xi32, #tpu.memory_space<vmem>> -> memref<1x128xi32, #tpu.memory_space<vmem>>
    %dma_wait3A_16 = tpu.memref_squeeze %dma_wait3A_15 : memref<1x128xi32, #tpu.memory_space<vmem>> -> memref<128xi32, #tpu.memory_space<vmem>>
    %dma_wait3A_17 = arith.constant 0 : i32
    %dma_wait3A_18 = arith.constant 0 : i32
    %dma_wait3A_19 = tpu.memref_slice %arg2[%dma_wait3A_17, %dma_wait3A_18] : memref<10000x128xf32, #tpu.memory_space<hbm>> -> memref<10000x128xf32, #tpu.memory_space<hbm>>
    tpu.wait_indirect_dma semaphore(%arg12 : memref<!tpu.dma_semaphore, #tpu.memory_space<semaphore_mem>>) src(%dma_wait3A_19 : memref<10000x128xf32, #tpu.memory_space<hbm>>) dst(%arg10 : memref<128x128xf32, #tpu.memory_space<vmem>>)
    "tpu.region"() ({
      %run_scoped3A = tpu.sem_alloc : memref<!tpu.dma_semaphore, #tpu.memory_space<semaphore_mem>>
      %dma_start3A_41 = arith.constant 40 : i32
      %dma_start3A_42 = arith.constant 0 : i32
      %dma_start3A_43 = tpu.memref_slice %arg3[%add3A, %dma_start3A_41, %dma_start3A_42] : memref<32x80x128xi32, #tpu.memory_space<hbm>> -> memref<1x40x128xi32, #tpu.memory_space<hbm>>
      %dma_start3A_44 = tpu.memref_squeeze %dma_start3A_43 : memref<1x40x128xi32, #tpu.memory_space<hbm>> -> memref<40x128xi32, #tpu.memory_space<hbm>>
      %dma_start3A_45 = arith.constant 40 : i32
      %dma_start3A_46 = arith.constant 0 : i32
      %dma_start3A_47 = tpu.memref_slice %arg3[%add3A, %dma_start3A_45, %dma_start3A_46] : memref<32x80x128xi32, #tpu.memory_space<hbm>> -> memref<1x40x128xi32, #tpu.memory_space<hbm>>
      %dma_start3A_48 = tpu.memref_squeeze %dma_start3A_47 : memref<1x40x128xi32, #tpu.memory_space<hbm>> -> memref<40x128xi32, #tpu.memory_space<hbm>>
      tpu.enqueue_dma source(%dma_start3A_48 : memref<40x128xi32, #tpu.memory_space<hbm>>) target(%arg8 : memref<40x128xi32, #tpu.memory_space<vmem>>) target_semaphore(%run_scoped3A : memref<!tpu.dma_semaphore, #tpu.memory_space<semaphore_mem>>)
      %dma_wait3A_49 = arith.constant 40 : i32
      %dma_wait3A_50 = arith.constant 0 : i32
      %dma_wait3A_51 = tpu.memref_slice %arg3[%add3A, %dma_wait3A_49, %dma_wait3A_50] : memref<32x80x128xi32, #tpu.memory_space<hbm>> -> memref<1x40x128xi32, #tpu.memory_space<hbm>>
      %dma_wait3A_52 = tpu.memref_squeeze %dma_wait3A_51 : memref<1x40x128xi32, #tpu.memory_space<hbm>> -> memref<40x128xi32, #tpu.memory_space<hbm>>
      %dma_wait3A_53 = arith.constant 40 : i32
      %dma_wait3A_54 = arith.constant 0 : i32
      %dma_wait3A_55 = tpu.memref_slice %arg3[%add3A, %dma_wait3A_53, %dma_wait3A_54] : memref<32x80x128xi32, #tpu.memory_space<hbm>> -> memref<1x40x128xi32, #tpu.memory_space<hbm>>
      %dma_wait3A_56 = tpu.memref_squeeze %dma_wait3A_55 : memref<1x40x128xi32, #tpu.memory_space<hbm>> -> memref<40x128xi32, #tpu.memory_space<hbm>>
      tpu.wait_dma2 semaphore(%run_scoped3A : memref<!tpu.dma_semaphore, #tpu.memory_space<semaphore_mem>>) src(%dma_wait3A_56 : memref<40x128xi32, #tpu.memory_space<hbm>>) dst(%arg8 : memref<40x128xi32, #tpu.memory_space<vmem>>)
      tpu.yield
    }) : () -> ()
    "tpu.region"() ({
      %run_scoped3A = tpu.sem_alloc : memref<!tpu.dma_semaphore, #tpu.memory_space<semaphore_mem>>
      %dma_start3A_41 = arith.constant 40 : i32
      %dma_start3A_42 = arith.constant 0 : i32
      %dma_start3A_43 = tpu.memref_slice %arg4[%add3A, %dma_start3A_41, %dma_start3A_42] : memref<32x80x128xi32, #tpu.memory_space<hbm>> -> memref<1x40x128xi32, #tpu.memory_space<hbm>>
      %dma_start3A_44 = tpu.memref_squeeze %dma_start3A_43 : memref<1x40x128xi32, #tpu.memory_space<hbm>> -> memref<40x128xi32, #tpu.memory_space<hbm>>
      %dma_start3A_45 = arith.constant 40 : i32
      %dma_start3A_46 = arith.constant 0 : i32
      %dma_start3A_47 = tpu.memref_slice %arg4[%add3A, %dma_start3A_45, %dma_start3A_46] : memref<32x80x128xi32, #tpu.memory_space<hbm>> -> memref<1x40x128xi32, #tpu.memory_space<hbm>>
      %dma_start3A_48 = tpu.memref_squeeze %dma_start3A_47 : memref<1x40x128xi32, #tpu.memory_space<hbm>> -> memref<40x128xi32, #tpu.memory_space<hbm>>
      tpu.enqueue_dma source(%dma_start3A_48 : memref<40x128xi32, #tpu.memory_space<hbm>>) target(%arg9 : memref<40x128xi32, #tpu.memory_space<vmem>>) target_semaphore(%run_scoped3A : memref<!tpu.dma_semaphore, #tpu.memory_space<semaphore_mem>>)
      %dma_wait3A_49 = arith.constant 40 : i32
      %dma_wait3A_50 = arith.constant 0 : i32
      %dma_wait3A_51 = tpu.memref_slice %arg4[%add3A, %dma_wait3A_49, %dma_wait3A_50] : memref<32x80x128xi32, #tpu.memory_space<hbm>> -> memref<1x40x128xi32, #tpu.memory_space<hbm>>
      %dma_wait3A_52 = tpu.memref_squeeze %dma_wait3A_51 : memref<1x40x128xi32, #tpu.memory_space<hbm>> -> memref<40x128xi32, #tpu.memory_space<hbm>>
      %dma_wait3A_53 = arith.constant 40 : i32
      %dma_wait3A_54 = arith.constant 0 : i32
      %dma_wait3A_55 = tpu.memref_slice %arg4[%add3A, %dma_wait3A_53, %dma_wait3A_54] : memref<32x80x128xi32, #tpu.memory_space<hbm>> -> memref<1x40x128xi32, #tpu.memory_space<hbm>>
      %dma_wait3A_56 = tpu.memref_squeeze %dma_wait3A_55 : memref<1x40x128xi32, #tpu.memory_space<hbm>> -> memref<40x128xi32, #tpu.memory_space<hbm>>
      tpu.wait_dma2 semaphore(%run_scoped3A : memref<!tpu.dma_semaphore, #tpu.memory_space<semaphore_mem>>) src(%dma_wait3A_56 : memref<40x128xi32, #tpu.memory_space<hbm>>) dst(%arg9 : memref<40x128xi32, #tpu.memory_space<vmem>>)
      tpu.yield
    }) : () -> ()
    %dma_start3A_20 = arith.constant 0 : i32
    %dma_start3A_21 = arith.constant 0 : i32
    %dma_start3A_22 = tpu.memref_slice %arg8[%dma_start3A_20, %dma_start3A_21] : memref<40x128xi32, #tpu.memory_space<vmem>> -> memref<1x128xi32, #tpu.memory_space<vmem>>
    %dma_start3A_23 = tpu.memref_squeeze %dma_start3A_22 : memref<1x128xi32, #tpu.memory_space<vmem>> -> memref<128xi32, #tpu.memory_space<vmem>>
    %dma_start3A_24 = arith.constant 0 : i32
    %dma_start3A_25 = arith.constant 0 : i32
    %dma_start3A_26 = tpu.memref_slice %arg2[%dma_start3A_24, %dma_start3A_25] : memref<10000x128xf32, #tpu.memory_space<hbm>> -> memref<10000x128xf32, #tpu.memory_space<hbm>>
    tpu.enqueue_indirect_dma source(%dma_start3A_26 : memref<10000x128xf32, #tpu.memory_space<hbm>>) target(%arg10 : memref<128x128xf32, #tpu.memory_space<vmem>>) offsets(%dma_start3A_23 : memref<128xi32, #tpu.memory_space<vmem>>) semaphore(%arg12 : memref<!tpu.dma_semaphore, #tpu.memory_space<semaphore_mem>>)
    %scan3A_27 = arith.constant 0 : i32
    %scan3A_28 = arith.constant 0 : i32
    %scan3A_29 = arith.constant 20 : i32
    %scan3A_30 = arith.addi %scan3A_28, %scan3A_29 : i32
    %scan3A_31 = arith.constant 1 : i32
    scf.for %scan3A_41 = %scan3A_28 to %scan3A_30 step %scan3A_31  : i32 {
      %mul3A_42 = arith.constant 2 : i32
      %mul3A_43 = arith.muli %mul3A_42, %scan3A_41 : i32
      %dma_wait3A_44 = arith.constant 0 : i32
      %dma_wait3A_45 = arith.constant 0 : i32
      %dma_wait3A_46 = tpu.memref_slice %arg8[%dma_wait3A_44, %dma_wait3A_45] : memref<40x128xi32, #tpu.memory_space<vmem>> -> memref<1x128xi32, #tpu.memory_space<vmem>>
      %dma_wait3A_47 = tpu.memref_squeeze %dma_wait3A_46 : memref<1x128xi32, #tpu.memory_space<vmem>> -> memref<128xi32, #tpu.memory_space<vmem>>
      %dma_wait3A_48 = arith.constant 0 : i32
      %dma_wait3A_49 = arith.constant 0 : i32
      %dma_wait3A_50 = tpu.memref_slice %arg2[%dma_wait3A_48, %dma_wait3A_49] : memref<10000x128xf32, #tpu.memory_space<hbm>> -> memref<10000x128xf32, #tpu.memory_space<hbm>>
      tpu.wait_indirect_dma semaphore(%arg12 : memref<!tpu.dma_semaphore, #tpu.memory_space<semaphore_mem>>) src(%dma_wait3A_50 : memref<10000x128xf32, #tpu.memory_space<hbm>>) dst(%arg10 : memref<128x128xf32, #tpu.memory_space<vmem>>)
      %add3A_51 = arith.constant 1 : i32
      %add3A_52 = arith.addi %mul3A_43, %add3A_51 : i32
      %dma_start3A_53 = arith.constant 0 : i32
      %dma_start3A_54 = tpu.memref_slice %arg8[%add3A_52, %dma_start3A_53] : memref<40x128xi32, #tpu.memory_space<vmem>> -> memref<1x128xi32, #tpu.memory_space<vmem>>
      %dma_start3A_55 = tpu.memref_squeeze %dma_start3A_54 : memref<1x128xi32, #tpu.memory_space<vmem>> -> memref<128xi32, #tpu.memory_space<vmem>>
      %dma_start3A_56 = arith.constant 0 : i32
      %dma_start3A_57 = arith.constant 0 : i32
      %dma_start3A_58 = tpu.memref_slice %arg2[%dma_start3A_56, %dma_start3A_57] : memref<10000x128xf32, #tpu.memory_space<hbm>> -> memref<10000x128xf32, #tpu.memory_space<hbm>>
      tpu.enqueue_indirect_dma source(%dma_start3A_58 : memref<10000x128xf32, #tpu.memory_space<hbm>>) target(%arg11 : memref<128x128xf32, #tpu.memory_space<vmem>>) offsets(%dma_start3A_55 : memref<128xi32, #tpu.memory_space<vmem>>) semaphore(%arg13 : memref<!tpu.dma_semaphore, #tpu.memory_space<semaphore_mem>>)
      "tpu.region"() ({
        %run_scoped3A = tpu.sem_alloc : memref<!tpu.dma_semaphore, #tpu.memory_space<semaphore_mem>>
        %dma_start3A_79 = arith.constant 0 : i32
        %dma_start3A_80 = tpu.memref_slice %arg9[%mul3A_43, %dma_start3A_79] : memref<40x128xi32, #tpu.memory_space<vmem>> -> memref<1x128xi32, #tpu.memory_space<vmem>>
        %dma_start3A_81 = tpu.memref_squeeze %dma_start3A_80 : memref<1x128xi32, #tpu.memory_space<vmem>> -> memref<128xi32, #tpu.memory_space<vmem>>
        %dma_start3A_82 = arith.constant 0 : i32
        %dma_start3A_83 = arith.constant 0 : i32
        %dma_start3A_84 = tpu.memref_slice %arg7[%dma_start3A_82, %dma_start3A_83] : memref<10112x128xf32, #tpu.memory_space<vmem_shared>> -> memref<10112x128xf32, #tpu.memory_space<vmem_shared>>
        tpu.enqueue_indirect_dma source(%arg10 : memref<128x128xf32, #tpu.memory_space<vmem>>) target(%dma_start3A_84 : memref<10112x128xf32, #tpu.memory_space<vmem_shared>>) offsets(%dma_start3A_81 : memref<128xi32, #tpu.memory_space<vmem>>) semaphore(%run_scoped3A : memref<!tpu.dma_semaphore, #tpu.memory_space<semaphore_mem>>) {add = true}
        %dma_wait3A_85 = arith.constant 0 : i32
        %dma_wait3A_86 = tpu.memref_slice %arg9[%mul3A_43, %dma_wait3A_85] : memref<40x128xi32, #tpu.memory_space<vmem>> -> memref<1x128xi32, #tpu.memory_space<vmem>>
        %dma_wait3A_87 = tpu.memref_squeeze %dma_wait3A_86 : memref<1x128xi32, #tpu.memory_space<vmem>> -> memref<128xi32, #tpu.memory_space<vmem>>
        %dma_wait3A_88 = arith.constant 0 : i32
        %dma_wait3A_89 = arith.constant 0 : i32
        %dma_wait3A_90 = tpu.memref_slice %arg7[%dma_wait3A_88, %dma_wait3A_89] : memref<10112x128xf32, #tpu.memory_space<vmem_shared>> -> memref<10112x128xf32, #tpu.memory_space<vmem_shared>>
        tpu.wait_indirect_dma semaphore(%run_scoped3A : memref<!tpu.dma_semaphore, #tpu.memory_space<semaphore_mem>>) src(%arg10 : memref<128x128xf32, #tpu.memory_space<vmem>>) dst(%dma_wait3A_90 : memref<10112x128xf32, #tpu.memory_space<vmem_shared>>)
        tpu.yield
      }) : () -> ()
      %add3A_59 = arith.constant 2 : i32
      %add3A_60 = arith.addi %mul3A_43, %add3A_59 : i32
      %lt3A = arith.constant 40 : i32
      %lt3A_61 = arith.cmpi slt, %add3A_60, %lt3A : i32
      %add3A_62 = arith.constant 2 : i32
      %add3A_63 = arith.addi %mul3A_43, %add3A_62 : i32
      %jit3A = arith.constant 0 : i32
      %select_n3A = arith.select %lt3A_61, %add3A_63, %jit3A : i32
      %dma_wait3A_64 = arith.constant 0 : i32
      %dma_wait3A_65 = arith.constant 0 : i32
      %dma_wait3A_66 = tpu.memref_slice %arg8[%dma_wait3A_64, %dma_wait3A_65] : memref<40x128xi32, #tpu.memory_space<vmem>> -> memref<1x128xi32, #tpu.memory_space<vmem>>
      %dma_wait3A_67 = tpu.memref_squeeze %dma_wait3A_66 : memref<1x128xi32, #tpu.memory_space<vmem>> -> memref<128xi32, #tpu.memory_space<vmem>>
      %dma_wait3A_68 = arith.constant 0 : i32
      %dma_wait3A_69 = arith.constant 0 : i32
      %dma_wait3A_70 = tpu.memref_slice %arg2[%dma_wait3A_68, %dma_wait3A_69] : memref<10000x128xf32, #tpu.memory_space<hbm>> -> memref<10000x128xf32, #tpu.memory_space<hbm>>
      tpu.wait_indirect_dma semaphore(%arg13 : memref<!tpu.dma_semaphore, #tpu.memory_space<semaphore_mem>>) src(%dma_wait3A_70 : memref<10000x128xf32, #tpu.memory_space<hbm>>) dst(%arg11 : memref<128x128xf32, #tpu.memory_space<vmem>>)
      %dma_start3A_71 = arith.constant 0 : i32
      %dma_start3A_72 = tpu.memref_slice %arg8[%select_n3A, %dma_start3A_71] : memref<40x128xi32, #tpu.memory_space<vmem>> -> memref<1x128xi32, #tpu.memory_space<vmem>>
      %dma_start3A_73 = tpu.memref_squeeze %dma_start3A_72 : memref<1x128xi32, #tpu.memory_space<vmem>> -> memref<128xi32, #tpu.memory_space<vmem>>
      %dma_start3A_74 = arith.constant 0 : i32
      %dma_start3A_75 = arith.constant 0 : i32
      %dma_start3A_76 = tpu.memref_slice %arg2[%dma_start3A_74, %dma_start3A_75] : memref<10000x128xf32, #tpu.memory_space<hbm>> -> memref<10000x128xf32, #tpu.memory_space<hbm>>
      tpu.enqueue_indirect_dma source(%dma_start3A_76 : memref<10000x128xf32, #tpu.memory_space<hbm>>) target(%arg10 : memref<128x128xf32, #tpu.memory_space<vmem>>) offsets(%dma_start3A_73 : memref<128xi32, #tpu.memory_space<vmem>>) semaphore(%arg12 : memref<!tpu.dma_semaphore, #tpu.memory_space<semaphore_mem>>)
      %add3A_77 = arith.constant 1 : i32
      %add3A_78 = arith.addi %mul3A_43, %add3A_77 : i32
      "tpu.region"() ({
        %run_scoped3A = tpu.sem_alloc : memref<!tpu.dma_semaphore, #tpu.memory_space<semaphore_mem>>
        %dma_start3A_79 = arith.constant 0 : i32
        %dma_start3A_80 = tpu.memref_slice %arg9[%add3A_78, %dma_start3A_79] : memref<40x128xi32, #tpu.memory_space<vmem>> -> memref<1x128xi32, #tpu.memory_space<vmem>>
        %dma_start3A_81 = tpu.memref_squeeze %dma_start3A_80 : memref<1x128xi32, #tpu.memory_space<vmem>> -> memref<128xi32, #tpu.memory_space<vmem>>
        %dma_start3A_82 = arith.constant 0 : i32
        %dma_start3A_83 = arith.constant 0 : i32
        %dma_start3A_84 = tpu.memref_slice %arg7[%dma_start3A_82, %dma_start3A_83] : memref<10112x128xf32, #tpu.memory_space<vmem_shared>> -> memref<10112x128xf32, #tpu.memory_space<vmem_shared>>
        tpu.enqueue_indirect_dma source(%arg11 : memref<128x128xf32, #tpu.memory_space<vmem>>) target(%dma_start3A_84 : memref<10112x128xf32, #tpu.memory_space<vmem_shared>>) offsets(%dma_start3A_81 : memref<128xi32, #tpu.memory_space<vmem>>) semaphore(%run_scoped3A : memref<!tpu.dma_semaphore, #tpu.memory_space<semaphore_mem>>) {add = true}
        %dma_wait3A_85 = arith.constant 0 : i32
        %dma_wait3A_86 = tpu.memref_slice %arg9[%add3A_78, %dma_wait3A_85] : memref<40x128xi32, #tpu.memory_space<vmem>> -> memref<1x128xi32, #tpu.memory_space<vmem>>
        %dma_wait3A_87 = tpu.memref_squeeze %dma_wait3A_86 : memref<1x128xi32, #tpu.memory_space<vmem>> -> memref<128xi32, #tpu.memory_space<vmem>>
        %dma_wait3A_88 = arith.constant 0 : i32
        %dma_wait3A_89 = arith.constant 0 : i32
        %dma_wait3A_90 = tpu.memref_slice %arg7[%dma_wait3A_88, %dma_wait3A_89] : memref<10112x128xf32, #tpu.memory_space<vmem_shared>> -> memref<10112x128xf32, #tpu.memory_space<vmem_shared>>
        tpu.wait_indirect_dma semaphore(%run_scoped3A : memref<!tpu.dma_semaphore, #tpu.memory_space<semaphore_mem>>) src(%arg11 : memref<128x128xf32, #tpu.memory_space<vmem>>) dst(%dma_wait3A_90 : memref<10112x128xf32, #tpu.memory_space<vmem_shared>>)
        tpu.yield
      }) : () -> ()
    }
    %scan3A_32 = arith.constant 20 : i32
    %dma_wait3A_33 = arith.constant 0 : i32
    %dma_wait3A_34 = arith.constant 0 : i32
    %dma_wait3A_35 = tpu.memref_slice %arg8[%dma_wait3A_33, %dma_wait3A_34] : memref<40x128xi32, #tpu.memory_space<vmem>> -> memref<1x128xi32, #tpu.memory_space<vmem>>
    %dma_wait3A_36 = tpu.memref_squeeze %dma_wait3A_35 : memref<1x128xi32, #tpu.memory_space<vmem>> -> memref<128xi32, #tpu.memory_space<vmem>>
    %dma_wait3A_37 = arith.constant 0 : i32
    %dma_wait3A_38 = arith.constant 0 : i32
    %dma_wait3A_39 = tpu.memref_slice %arg2[%dma_wait3A_37, %dma_wait3A_38] : memref<10000x128xf32, #tpu.memory_space<hbm>> -> memref<10000x128xf32, #tpu.memory_space<hbm>>
    tpu.wait_indirect_dma semaphore(%arg12 : memref<!tpu.dma_semaphore, #tpu.memory_space<semaphore_mem>>) src(%dma_wait3A_39 : memref<10000x128xf32, #tpu.memory_space<hbm>>) dst(%arg10 : memref<128x128xf32, #tpu.memory_space<vmem>>)
    %barrier3A_40 = arith.constant 0 : index
    tpu.barrier barrier_id(%barrier3A_40)
    "tpu.region"() ({
      %run_scoped3A = tpu.sem_alloc : memref<!tpu.dma_semaphore, #tpu.memory_space<semaphore_mem>>
      %dma_start3A_41 = arith.constant 0 : i32
      %dma_start3A_42 = tpu.memref_slice %arg6[%arg0, %mul3A_2, %dma_start3A_41] : memref<2x10112x128xf32, #tpu.memory_space<hbm>> -> memref<1x632x128xf32, #tpu.memory_space<hbm>>
      %dma_start3A_43 = tpu.memref_squeeze %dma_start3A_42 : memref<1x632x128xf32, #tpu.memory_space<hbm>> -> memref<632x128xf32, #tpu.memory_space<hbm>>
      %dma_start3A_44 = arith.constant 0 : i32
      %dma_start3A_45 = tpu.memref_slice %arg7[%mul3A_2, %dma_start3A_44] : memref<10112x128xf32, #tpu.memory_space<vmem_shared>> -> memref<632x128xf32, #tpu.memory_space<vmem_shared>>
      tpu.enqueue_dma source(%dma_start3A_45 : memref<632x128xf32, #tpu.memory_space<vmem_shared>>) target(%dma_start3A_43 : memref<632x128xf32, #tpu.memory_space<hbm>>) target_semaphore(%run_scoped3A : memref<!tpu.dma_semaphore, #tpu.memory_space<semaphore_mem>>)
      %dma_wait3A_46 = arith.constant 0 : i32
      %dma_wait3A_47 = tpu.memref_slice %arg6[%arg0, %mul3A_2, %dma_wait3A_46] : memref<2x10112x128xf32, #tpu.memory_space<hbm>> -> memref<1x632x128xf32, #tpu.memory_space<hbm>>
      %dma_wait3A_48 = tpu.memref_squeeze %dma_wait3A_47 : memref<1x632x128xf32, #tpu.memory_space<hbm>> -> memref<632x128xf32, #tpu.memory_space<hbm>>
      %dma_wait3A_49 = arith.constant 0 : i32
      %dma_wait3A_50 = tpu.memref_slice %arg7[%mul3A_2, %dma_wait3A_49] : memref<10112x128xf32, #tpu.memory_space<vmem_shared>> -> memref<632x128xf32, #tpu.memory_space<vmem_shared>>
      tpu.wait_dma2 semaphore(%run_scoped3A : memref<!tpu.dma_semaphore, #tpu.memory_space<semaphore_mem>>) src(%dma_wait3A_50 : memref<632x128xf32, #tpu.memory_space<vmem_shared>>) dst(%dma_wait3A_48 : memref<632x128xf32, #tpu.memory_space<hbm>>)
      tpu.yield
    }) : () -> ()
    return
  }
}

module attributes {stable_mosaic.version = 14 : i64} {
  func.func @_mm1_body(%arg0: memref<10000x128xf32, #tpu.memory_space<vmem>>, %arg1: memref<128x128xf32, #tpu.memory_space<vmem>>, %arg2: memref<128x128xf32, #tpu.memory_space<vmem>>, %arg3: memref<1x128xf32, #tpu.memory_space<vmem>>, %arg4: memref<10000x128xf32, #tpu.memory_space<vmem>>, %arg5: memref<10000x128xf32, #tpu.memory_space<vmem>>) attributes {dimension_semantics = [], scalar_prefetch = 0 : i64, scratch_operands = 0 : i64, tpu.core_type = #tpu.core_type<tc>} {
    %get3A = arith.constant 0 : index
    %get3A_0 = arith.constant 0 : index
    %get3A_1 = vector.load %arg0[%get3A, %get3A_0] : memref<10000x128xf32, #tpu.memory_space<vmem>>, vector<10000x128xf32>
    %get3A_2 = arith.constant 0 : index
    %get3A_3 = arith.constant 0 : index
    %get3A_4 = vector.load %arg1[%get3A_2, %get3A_3] : memref<128x128xf32, #tpu.memory_space<vmem>>, vector<128x128xf32>
    %dot_general3A = arith.constant dense<0.000000e+00> : vector<10000x128xf32>
    %dot_general3A_5 = tpu.matmul %get3A_1, %get3A_4, %dot_general3A {dimension_numbers = #tpu.dot_dimension_numbers<[1], [0], [0], [1], [0, 0, 1, 1], [], []>, transpose_lhs_hint = false} : vector<10000x128xf32>, vector<128x128xf32>, vector<10000x128xf32> -> vector<10000x128xf32>
    %swap3A = arith.constant 0 : index
    %swap3A_6 = arith.constant 0 : index
    %swap3A_7 = vector.load %arg4[%swap3A, %swap3A_6] : memref<10000x128xf32, #tpu.memory_space<vmem>>, vector<10000x128xf32>
    tpu.vector_store %arg4[%swap3A, %swap3A_6], %dot_general3A_5 {strides = array<i32>} : memref<10000x128xf32, #tpu.memory_space<vmem>>, vector<10000x128xf32>,
    %get3A_8 = arith.constant 0 : index
    %get3A_9 = arith.constant 0 : index
    %get3A_10 = vector.load %arg2[%get3A_8, %get3A_9] : memref<128x128xf32, #tpu.memory_space<vmem>>, vector<128x128xf32>
    %dot_general3A_11 = arith.constant dense<0.000000e+00> : vector<10000x128xf32>
    %dot_general3A_12 = tpu.matmul %get3A_1, %get3A_10, %dot_general3A_11 {dimension_numbers = #tpu.dot_dimension_numbers<[1], [0], [0], [1], [0, 0, 1, 1], [], []>, transpose_lhs_hint = false} : vector<10000x128xf32>, vector<128x128xf32>, vector<10000x128xf32> -> vector<10000x128xf32>
    %get3A_13 = arith.constant 0 : index
    %get3A_14 = arith.constant 0 : index
    %get3A_15 = vector.load %arg3[%get3A_13, %get3A_14] : memref<1x128xf32, #tpu.memory_space<vmem>>, vector<1x128xf32>
    %add3A = vector.broadcast %get3A_15 : vector<1x128xf32> to vector<10000x128xf32>
    %add3A_16 = arith.addf %dot_general3A_12, %add3A : vector<10000x128xf32>
    %swap3A_17 = arith.constant 0 : index
    %swap3A_18 = arith.constant 0 : index
    %swap3A_19 = vector.load %arg5[%swap3A_17, %swap3A_18] : memref<10000x128xf32, #tpu.memory_space<vmem>>, vector<10000x128xf32>
    tpu.vector_store %arg5[%swap3A_17, %swap3A_18], %add3A_16 {strides = array<i32>} : memref<10000x128xf32, #tpu.memory_space<vmem>>, vector<10000x128xf32>,
    return
  }
}

module attributes {stable_mosaic.version = 14 : i64} {
  func.func @_scale1_body(%arg0: memref<10000x128xf32, #tpu.memory_space<vmem>>, %arg1: memref<2x10112x128xf32, #tpu.memory_space<vmem>>, %arg2: memref<10000x128xf32, #tpu.memory_space<vmem>>, %arg3: memref<10000x1xf32, #tpu.memory_space<vmem>>) attributes {dimension_semantics = [], scalar_prefetch = 0 : i64, scratch_operands = 0 : i64, tpu.core_type = #tpu.core_type<tc>} {
    %get3A = arith.constant 0 : index
    %get3A_0 = arith.constant 0 : index
    %get3A_1 = arith.constant 0 : index
    %get3A_2 = vector.load %arg1[%get3A, %get3A_0, %get3A_1] : memref<2x10112x128xf32, #tpu.memory_space<vmem>>, vector<1x10000x1xf32>
    %get3A_3 = vector.shape_cast %get3A_2 : vector<1x10000x1xf32> to vector<10000x1xf32>
    %get3A_4 = arith.constant 1 : index
    %get3A_5 = arith.constant 0 : index
    %get3A_6 = arith.constant 0 : index
    %get3A_7 = vector.load %arg1[%get3A_4, %get3A_5, %get3A_6] : memref<2x10112x128xf32, #tpu.memory_space<vmem>>, vector<1x10000x1xf32>
    %get3A_8 = vector.shape_cast %get3A_7 : vector<1x10000x1xf32> to vector<10000x1xf32>
    %add3A = arith.addf %get3A_3, %get3A_8 : vector<10000x1xf32>
    %gt3A = arith.constant 0.000000e+00 : f32
    %gt3A_9 = vector.broadcast %gt3A : f32 to vector<10000x1xf32>
    %gt3A_10 = arith.cmpf ogt, %add3A, %gt3A_9 : vector<10000x1xf32>
    %gt3A_11 = arith.constant 0.000000e+00 : f32
    %gt3A_12 = vector.broadcast %gt3A_11 : f32 to vector<10000x1xf32>
    %gt3A_13 = arith.cmpf ogt, %add3A, %gt3A_12 : vector<10000x1xf32>
    %jit3A = arith.constant 1.000000e+00 : f32
    %broadcast_in_dim3A = vector.broadcast %jit3A : f32 to vector<10000x1xf32>
    %select_n3A = arith.select %gt3A_13, %add3A, %broadcast_in_dim3A : vector<10000x1xi1>, vector<10000x1xf32>
    %rsqrt3A = math.rsqrt %select_n3A : vector<10000x1xf32>
    %jit3A_14 = arith.constant 0.000000e+00 : f32
    %broadcast_in_dim3A_15 = vector.broadcast %jit3A_14 : f32 to vector<10000x1xf32>
    %select_n3A_16 = arith.select %gt3A_10, %rsqrt3A, %broadcast_in_dim3A_15 : vector<10000x1xi1>, vector<10000x1xf32>
    %swap3A = arith.constant 0 : index
    %swap3A_17 = arith.constant 0 : index
    %swap3A_18 = vector.load %arg3[%swap3A, %swap3A_17] : memref<10000x1xf32, #tpu.memory_space<vmem>>, vector<10000x1xf32>
    tpu.vector_store %arg3[%swap3A, %swap3A_17], %select_n3A_16 {strides = array<i32>} : memref<10000x1xf32, #tpu.memory_space<vmem>>, vector<10000x1xf32>,
    %get3A_19 = arith.constant 0 : index
    %get3A_20 = arith.constant 0 : index
    %get3A_21 = vector.load %arg0[%get3A_19, %get3A_20] : memref<10000x128xf32, #tpu.memory_space<vmem>>, vector<10000x128xf32>
    %mul3A = vector.broadcast %select_n3A_16 : vector<10000x1xf32> to vector<10000x128xf32>
    %mul3A_22 = arith.mulf %mul3A, %get3A_21 : vector<10000x128xf32>
    %swap3A_23 = arith.constant 0 : index
    %swap3A_24 = arith.constant 0 : index
    %swap3A_25 = vector.load %arg2[%swap3A_23, %swap3A_24] : memref<10000x128xf32, #tpu.memory_space<vmem>>, vector<10000x128xf32>
    tpu.vector_store %arg2[%swap3A_23, %swap3A_24], %mul3A_22 {strides = array<i32>} : memref<10000x128xf32, #tpu.memory_space<vmem>>, vector<10000x128xf32>,
    return
  }
}

module attributes {stable_mosaic.version = 14 : i64} {
  func.func @_mid_body(%arg0: memref<2x10112x128xf32, #tpu.memory_space<vmem>>, %arg1: memref<10000x128xf32, #tpu.memory_space<vmem>>, %arg2: memref<10000x1xf32, #tpu.memory_space<vmem>>, %arg3: memref<1x128xf32, #tpu.memory_space<vmem>>, %arg4: memref<128x128xf32, #tpu.memory_space<vmem>>, %arg5: memref<128x128xf32, #tpu.memory_space<vmem>>, %arg6: memref<1x128xf32, #tpu.memory_space<vmem>>, %arg7: memref<10000x128xf32, #tpu.memory_space<vmem>>, %arg8: memref<10000x128xf32, #tpu.memory_space<vmem>>) attributes {dimension_semantics = [], scalar_prefetch = 0 : i64, scratch_operands = 0 : i64, tpu.core_type = #tpu.core_type<tc>} {
    %get3A = arith.constant 0 : index
    %get3A_0 = arith.constant 0 : index
    %get3A_1 = vector.load %arg2[%get3A, %get3A_0] : memref<10000x1xf32, #tpu.memory_space<vmem>>, vector<10000x1xf32>
    %get3A_2 = arith.constant 0 : index
    %get3A_3 = arith.constant 0 : index
    %get3A_4 = arith.constant 0 : index
    %get3A_5 = vector.load %arg0[%get3A_2, %get3A_3, %get3A_4] : memref<2x10112x128xf32, #tpu.memory_space<vmem>>, vector<1x10000x128xf32>
    %get3A_6 = vector.shape_cast %get3A_5 : vector<1x10000x128xf32> to vector<10000x128xf32>
    %get3A_7 = arith.constant 1 : index
    %get3A_8 = arith.constant 0 : index
    %get3A_9 = arith.constant 0 : index
    %get3A_10 = vector.load %arg0[%get3A_7, %get3A_8, %get3A_9] : memref<2x10112x128xf32, #tpu.memory_space<vmem>>, vector<1x10000x128xf32>
    %get3A_11 = vector.shape_cast %get3A_10 : vector<1x10000x128xf32> to vector<10000x128xf32>
    %add3A = arith.addf %get3A_6, %get3A_11 : vector<10000x128xf32>
    %mul3A = vector.broadcast %get3A_1 : vector<10000x1xf32> to vector<10000x128xf32>
    %mul3A_12 = arith.mulf %mul3A, %add3A : vector<10000x128xf32>
    %get3A_13 = arith.constant 0 : index
    %get3A_14 = arith.constant 0 : index
    %get3A_15 = vector.load %arg3[%get3A_13, %get3A_14] : memref<1x128xf32, #tpu.memory_space<vmem>>, vector<1x128xf32>
    %add3A_16 = vector.broadcast %get3A_15 : vector<1x128xf32> to vector<10000x128xf32>
    %add3A_17 = arith.addf %mul3A_12, %add3A_16 : vector<10000x128xf32>
    %get3A_18 = arith.constant 0 : index
    %get3A_19 = arith.constant 0 : index
    %get3A_20 = vector.load %arg1[%get3A_18, %get3A_19] : memref<10000x128xf32, #tpu.memory_space<vmem>>, vector<10000x128xf32>
    %add3A_21 = arith.addf %add3A_17, %get3A_20 : vector<10000x128xf32>
    %max3A = arith.constant 0.000000e+00 : f32
    %max3A_22 = vector.broadcast %max3A : f32 to vector<10000x128xf32>
    %max3A_23 = arith.maximumf %add3A_21, %max3A_22 : vector<10000x128xf32>
    %get3A_24 = arith.constant 0 : index
    %get3A_25 = arith.constant 0 : index
    %get3A_26 = vector.load %arg4[%get3A_24, %get3A_25] : memref<128x128xf32, #tpu.memory_space<vmem>>, vector<128x128xf32>
    %dot_general3A = arith.constant dense<0.000000e+00> : vector<10000x128xf32>
    %dot_general3A_27 = tpu.matmul %max3A_23, %get3A_26, %dot_general3A {dimension_numbers = #tpu.dot_dimension_numbers<[1], [0], [0], [1], [0, 0, 1, 1], [], []>, transpose_lhs_hint = false} : vector<10000x128xf32>, vector<128x128xf32>, vector<10000x128xf32> -> vector<10000x128xf32>
    %mul3A_28 = vector.broadcast %get3A_1 : vector<10000x1xf32> to vector<10000x128xf32>
    %mul3A_29 = arith.mulf %mul3A_28, %dot_general3A_27 : vector<10000x128xf32>
    %swap3A = arith.constant 0 : index
    %swap3A_30 = arith.constant 0 : index
    %swap3A_31 = vector.load %arg7[%swap3A, %swap3A_30] : memref<10000x128xf32, #tpu.memory_space<vmem>>, vector<10000x128xf32>
    tpu.vector_store %arg7[%swap3A, %swap3A_30], %mul3A_29 {strides = array<i32>} : memref<10000x128xf32, #tpu.memory_space<vmem>>, vector<10000x128xf32>,
    %get3A_32 = arith.constant 0 : index
    %get3A_33 = arith.constant 0 : index
    %get3A_34 = vector.load %arg5[%get3A_32, %get3A_33] : memref<128x128xf32, #tpu.memory_space<vmem>>, vector<128x128xf32>
    %dot_general3A_35 = arith.constant dense<0.000000e+00> : vector<10000x128xf32>
    %dot_general3A_36 = tpu.matmul %max3A_23, %get3A_34, %dot_general3A_35 {dimension_numbers = #tpu.dot_dimension_numbers<[1], [0], [0], [1], [0, 0, 1, 1], [], []>, transpose_lhs_hint = false} : vector<10000x128xf32>, vector<128x128xf32>, vector<10000x128xf32> -> vector<10000x128xf32>
    %get3A_37 = arith.constant 0 : index
    %get3A_38 = arith.constant 0 : index
    %get3A_39 = vector.load %arg6[%get3A_37, %get3A_38] : memref<1x128xf32, #tpu.memory_space<vmem>>, vector<1x128xf32>
    %add3A_40 = vector.broadcast %get3A_39 : vector<1x128xf32> to vector<10000x128xf32>
    %add3A_41 = arith.addf %dot_general3A_36, %add3A_40 : vector<10000x128xf32>
    %swap3A_42 = arith.constant 0 : index
    %swap3A_43 = arith.constant 0 : index
    %swap3A_44 = vector.load %arg8[%swap3A_42, %swap3A_43] : memref<10000x128xf32, #tpu.memory_space<vmem>>, vector<10000x128xf32>
    tpu.vector_store %arg8[%swap3A_42, %swap3A_43], %add3A_41 {strides = array<i32>} : memref<10000x128xf32, #tpu.memory_space<vmem>>, vector<10000x128xf32>,
    return
  }
}

module attributes {stable_mosaic.version = 14 : i64} {
  func.func @_final_body(%arg0: memref<2x10112x128xf32, #tpu.memory_space<vmem>>, %arg1: memref<10000x128xf32, #tpu.memory_space<vmem>>, %arg2: memref<10000x1xf32, #tpu.memory_space<vmem>>, %arg3: memref<1x128xf32, #tpu.memory_space<vmem>>, %arg4: memref<1x10000xi32, #tpu.memory_space<vmem>>, %arg5: memref<128x128xf32, #tpu.memory_space<vmem>>, %arg6: memref<1x1xf32, #tpu.memory_space<vmem>>, %arg7: memref<256x128xf32, #tpu.memory_space<vmem>>) attributes {dimension_semantics = [], scalar_prefetch = 0 : i64, scratch_operands = 0 : i64, tpu.core_type = #tpu.core_type<tc>} {
    %get3A = arith.constant 0 : index
    %get3A_0 = arith.constant 0 : index
    %get3A_1 = vector.load %arg2[%get3A, %get3A_0] : memref<10000x1xf32, #tpu.memory_space<vmem>>, vector<10000x1xf32>
    %get3A_2 = arith.constant 0 : index
    %get3A_3 = arith.constant 0 : index
    %get3A_4 = arith.constant 0 : index
    %get3A_5 = vector.load %arg0[%get3A_2, %get3A_3, %get3A_4] : memref<2x10112x128xf32, #tpu.memory_space<vmem>>, vector<1x10000x128xf32>
    %get3A_6 = vector.shape_cast %get3A_5 : vector<1x10000x128xf32> to vector<10000x128xf32>
    %get3A_7 = arith.constant 1 : index
    %get3A_8 = arith.constant 0 : index
    %get3A_9 = arith.constant 0 : index
    %get3A_10 = vector.load %arg0[%get3A_7, %get3A_8, %get3A_9] : memref<2x10112x128xf32, #tpu.memory_space<vmem>>, vector<1x10000x128xf32>
    %get3A_11 = vector.shape_cast %get3A_10 : vector<1x10000x128xf32> to vector<10000x128xf32>
    %add3A = arith.addf %get3A_6, %get3A_11 : vector<10000x128xf32>
    %mul3A = vector.broadcast %get3A_1 : vector<10000x1xf32> to vector<10000x128xf32>
    %mul3A_12 = arith.mulf %mul3A, %add3A : vector<10000x128xf32>
    %get3A_13 = arith.constant 0 : index
    %get3A_14 = arith.constant 0 : index
    %get3A_15 = vector.load %arg3[%get3A_13, %get3A_14] : memref<1x128xf32, #tpu.memory_space<vmem>>, vector<1x128xf32>
    %add3A_16 = vector.broadcast %get3A_15 : vector<1x128xf32> to vector<10000x128xf32>
    %add3A_17 = arith.addf %mul3A_12, %add3A_16 : vector<10000x128xf32>
    %get3A_18 = arith.constant 0 : index
    %get3A_19 = arith.constant 0 : index
    %get3A_20 = vector.load %arg1[%get3A_18, %get3A_19] : memref<10000x128xf32, #tpu.memory_space<vmem>>, vector<10000x128xf32>
    %add3A_21 = arith.addf %add3A_17, %get3A_20 : vector<10000x128xf32>
    %iota3A = tpu.iota {dimensions = array<i32: 0>} : vector<256x10000xi32>
    %get3A_22 = arith.constant 0 : index
    %get3A_23 = arith.constant 0 : index
    %get3A_24 = vector.load %arg4[%get3A_22, %get3A_23] : memref<1x10000xi32, #tpu.memory_space<vmem>>, vector<1x10000xi32>
    %eq3A = vector.broadcast %get3A_24 : vector<1x10000xi32> to vector<256x10000xi32>
    %eq3A_25 = arith.cmpi eq, %iota3A, %eq3A : vector<256x10000xi32>
    %convert_element_type3A = arith.extui %eq3A_25 : vector<256x10000xi1> to vector<256x10000xi32>
    %convert_element_type3A_26 = arith.sitofp %convert_element_type3A : vector<256x10000xi32> to vector<256x10000xf32>
    %dot_general3A = arith.constant dense<0.000000e+00> : vector<256x128xf32>
    %dot_general3A_27 = tpu.matmul %convert_element_type3A_26, %add3A_21, %dot_general3A {dimension_numbers = #tpu.dot_dimension_numbers<[1], [0], [0], [1], [0, 0, 1, 1], [], []>, transpose_lhs_hint = false} : vector<256x10000xf32>, vector<10000x128xf32>, vector<256x128xf32> -> vector<256x128xf32>
    %max3A = arith.constant 0.000000e+00 : f32
    %max3A_28 = vector.broadcast %max3A : f32 to vector<256x128xf32>
    %max3A_29 = arith.maximumf %dot_general3A_27, %max3A_28 : vector<256x128xf32>
    %get3A_30 = arith.constant 0 : index
    %get3A_31 = arith.constant 0 : index
    %get3A_32 = vector.load %arg5[%get3A_30, %get3A_31] : memref<128x128xf32, #tpu.memory_space<vmem>>, vector<128x128xf32>
    %dot_general3A_33 = arith.constant dense<0.000000e+00> : vector<256x128xf32>
    %dot_general3A_34 = tpu.matmul %max3A_29, %get3A_32, %dot_general3A_33 {dimension_numbers = #tpu.dot_dimension_numbers<[1], [0], [0], [1], [0, 0, 1, 1], [], []>, transpose_lhs_hint = false} : vector<256x128xf32>, vector<128x128xf32>, vector<256x128xf32> -> vector<256x128xf32>
    %get3A_35 = arith.constant 0 : index
    %get3A_36 = arith.constant 0 : index
    %get3A_37 = vector.load %arg6[%get3A_35, %get3A_36] : memref<1x1xf32, #tpu.memory_space<vmem>>, vector<1x1xf32>
    %add3A_38 = vector.broadcast %get3A_37 : vector<1x1xf32> to vector<256x128xf32>
    %add3A_39 = arith.addf %dot_general3A_34, %add3A_38 : vector<256x128xf32>
    %swap3A = arith.constant 0 : index
    %swap3A_40 = arith.constant 0 : index
    %swap3A_41 = vector.load %arg7[%swap3A, %swap3A_40] : memref<256x128xf32, #tpu.memory_space<vmem>>, vector<256x128xf32>
    tpu.vector_store %arg7[%swap3A, %swap3A_40], %add3A_39 {strides = array<i32>} : memref<256x128xf32, #tpu.memory_space<vmem>>, vector<256x128xf32>,
    return
  }
}

</mosaic_0001>

<sc_bundles>
// kernel: kernel.12.cloned.1.call-start
scs
__scs_entry_jumppad:
0x0: {  	(pc) =	sbr.rel $0x88, $3  }
0x1: {  	(tag) =	ssettag $0x0;
	lr =	simm.s32 $0x1  }
0x2: {  	[smem:$0x3F94] =	sst lr;
	_ =	strace $0xD0000000  }
0x3: {  	_ = 	snop  }
0x4: {  	_ = 	snop  }
0x5: {  	_ = 	snop  }
0x6: {  	_ = 	snop  }
0x7: {  	_ = 	snop  }
__scs_overlays_trampoline_lowered:
0x8: {  	[smem:$0x3FA3] =	sst s0  }
0x9: {  	[smem:$0x3FA4] =	sst s1  }
0xa: {  	[smem:$0x3FA5] =	sst s2  }
0xb: {  	[smem:$0x3FA6] =	sst s3  }
0xc: {  	[smem:$0x3FA7] =	sst s4  }
0xd: {  	[smem:$0x3FA8] =	sst s5  }
0xe: {  	[smem:$0x3FA9] =	sst s6  }
0xf: {  	[smem:$0x3FAA] =	sst s7  }
0x10: {  	[smem:$0x3FAB] =	sst s8  }
0x11: {  	[smem:$0x3FAC] =	sst s9;
	s0 =	simm.s32 @!p0 $0x0  }
0x12: {  	s1 =	sld [smem:$0x3F92];
	s0 =	simm.s32 @p0 $0x1  }
0x13: {  	[smem:$0x3FAD] =	sst s0;
	s0 =	simm.s32 @!p1 $0x0  }
0x14: {  	s2 =	sld [smem:$0x3F91];
	s0 =	simm.s32 @p1 $0x1  }
0x15: {  	[smem:$0x3FAE] =	sst s0;
	s0 =	simm.s32 @!p2 $0x0  }
0x16: {  	s3 =	sld [smem:$0x3FDB];
	s0 =	simm.s32 @p2 $0x1  }
0x17: {  	s4 =	simm.s32 $0x1BF5;
	[smem:$0x3FB0] =	sst s0  }
0x18: {  	s0 =	sld [smem:$0x3F93];
	_ =	swait.ge [sflag:s4], $0x0  }
0x19: {  	s7 =	sld [smem:$0x3F94]  }
0x1a: {  	s8 =	sadd.s32 $0xFFFFE003, lr  }
0x1b: {  	s9 =	sadd.s32 $0xFFFFFEF7, lr;
	s5 =	simm.s32 $0xFFFFFFFF;
	p2 =	slt.u32 s8, $0xFFFFF086  }
0x1c: {  	p1 =	slt.u32 s9, $0xF7A;
	s5 =	simm.s32 @!p2 $0x0  }
0x1d: {  	s5 =	simm.s32 @p1 $0x1;
	p0 =	seq.s32 s7, s2  }
0x1e: {  	s7 =	smul.u32 @!p0 $0xF7A, s2;
	p2 =	seq.s32 @!p0 s5, $0x0  }
0x1f: {  	s9 =	smul.u32 $0xF7A, s1;
	s8 =	simm.s32 @!p0 $0x1BF5;
	p2 =	por !p2, p0  }
0x20: {  	[sflag:s8] =	ssyncset.s32 @!p0 $0xFFFFF086;
	s6 =	sadd.s32 @!p0 s3, s7;
	s7 =	simm.s32 @!p0 $0x108  }
0x21: {  	s3 =	sadd.s32 s3, s9;
	s6 =	sadd.s32 @!p0 $0x88, s6;
	s7 =	simm.s32 @p2 $0x1082  }
0x22: {  	[simem:s7], [sflag:s8] =	dma.local @!p0 [hbm:s6], $0xF7A  }
0x23: {  	s9 =	sor.u32 $0xD0000000, s2;
	s6 =	simm.s32 $0x108;
	_ =	swait.ge @!p0 [sflag:s8], $0x0  }
0x24: {  	s3 =	sadd.s32 $0x88, s3;
	s6 =	simm.s32 @!p1 $0x1082;
	[sflag:s4] =	ssyncset.s32 $0xFFFFF086  }
0x25: {  	[simem:s6], [sflag:s4] =	dma.local [hbm:s3], $0xF7A  }
0x26: {  	[smem:$0x3F94] =	sst s1;
	(tag) =	ssettag s2;
	_ =	strace s9  }
0x27: {  	s1 =	sld [smem:$0x3FA4]  }
0x28: {  	s2 =	sld [smem:$0x3FA5]  }
0x29: {  	s4 =	sld [smem:$0x3FA7]  }
0x2a: {  	p0 =	seq.s32 s5, $0x0;
	s5 =	sld [smem:$0x3FA8]  }
0x2b: {  	s6 =	sld [smem:$0x3FA9]  }
0x2c: {  	s7 =	sld [smem:$0x3FAA]  }
0x2d: {  	s3 =	simm.s32 $0x108;
	s8 =	sld [smem:$0x3FAB]  }
0x2e: {  	s3 =	simm.s32 @!p0 $0x1082;
	s9 =	sld [smem:$0x3FAC]  }
0x2f: {  	lr =	sadd.s32 s0, s3;
	s0 =	sld [smem:$0x3FA3]  }
0x30: {  	s3 =	sld [smem:$0x3FA6]  }
0x31: {  	[smem:$0x3FAF] =	sst s10  }
0x32: {  	s10 =	sld [smem:$0x3FAD];
	_ =	sdelay $0x3  }
0x33: {  	p0 =	seq.s32 s10, $0x1;
	s10 =	sld [smem:$0x3FAF];
	_ =	sdelay $0x3  }
0x34: {  	[smem:$0x3FAF] =	sst s10  }
0x35: {  	s10 =	sld [smem:$0x3FAE];
	_ =	sdelay $0x3  }
0x36: {  	p1 =	seq.s32 s10, $0x1;
	s10 =	sld [smem:$0x3FAF];
	_ =	sdelay $0x3  }
0x37: {  	[smem:$0x3FAF] =	sst s10  }
0x38: {  	s10 =	sld [smem:$0x3FB0]  }
0x39: {  	_ = 	snop;
	(pc) =	sbr.ind lr, $3  }
0x3a: {  	_ = 	snop  }
0x3b: {  	_ = 	snop  }
0x3c: {  	p2 =	seq.s32 s10, $0x1;
	s10 =	sld [smem:$0x3FAF]  }
0x3d: {  	_ =	shalt  }
0x3e: {  	_ =	shalt  }
0x3f: {  	_ =	shalt  }
0x40: {  	_ =	shalt  }
0x41: {  	_ =	shalt  }
0x42: {  	_ =	shalt  }
0x43: {  	_ =	shalt  }
0x44: {  	_ =	shalt  }
0x45: {  	_ =	shalt  }
0x46: {  	_ =	shalt  }
0x47: {  	_ =	shalt  }
0x48: {  	_ =	shalt  }
0x49: {  	_ =	shalt  }
0x4a: {  	_ =	shalt  }
0x4b: {  	_ =	shalt  }
0x4c: {  	_ =	shalt  }
0x4d: {  	_ =	shalt  }
0x4e: {  	_ =	shalt  }
0x4f: {  	_ =	shalt  }
0x50: {  	_ =	shalt  }
0x51: {  	_ =	shalt  }
0x52: {  	_ =	shalt  }
0x53: {  	_ =	shalt  }
0x54: {  	_ =	shalt  }
0x55: {  	_ =	shalt  }
0x56: {  	_ =	shalt  }
0x57: {  	_ =	shalt  }
0x58: {  	_ =	shalt  }
0x59: {  	_ =	shalt  }
0x5a: {  	_ =	shalt  }
0x5b: {  	_ =	shalt  }
0x5c: {  	_ =	shalt  }
0x5d: {  	_ =	shalt  }
0x5e: {  	_ =	shalt  }
0x5f: {  	_ =	shalt  }
0x60: {  	_ =	shalt  }
0x61: {  	_ =	shalt  }
0x62: {  	_ =	shalt  }
0x63: {  	_ =	shalt  }
0x64: {  	_ =	shalt  }
0x65: {  	_ =	shalt  }
0x66: {  	_ =	shalt  }
0x67: {  	_ =	shalt  }
0x68: {  	_ =	shalt  }
0x69: {  	_ =	shalt  }
0x6a: {  	_ =	shalt  }
0x6b: {  	_ =	shalt  }
0x6c: {  	_ =	shalt  }
0x6d: {  	_ =	shalt  }
0x6e: {  	_ =	shalt  }
0x6f: {  	_ =	shalt  }
0x70: {  	_ =	shalt  }
0x71: {  	_ =	shalt  }
0x72: {  	_ =	shalt  }
0x73: {  	_ =	shalt  }
0x74: {  	_ =	shalt  }
0x75: {  	_ =	shalt  }
0x76: {  	_ =	shalt  }
0x77: {  	_ =	shalt  }
0x78: {  	_ =	shalt  }
0x79: {  	_ =	shalt  }
0x7a: {  	_ =	shalt  }
0x7b: {  	_ =	shalt  }
0x7c: {  	_ =	shalt  }
0x7d: {  	_ =	shalt  }
0x7e: {  	_ =	shalt  }
0x7f: {  	_ =	shalt  }
0x80: {  	_ =	shalt  }
0x81: {  	_ =	shalt  }
0x82: {  	_ =	shalt  }
0x83: {  	_ =	shalt  }
0x84: {  	_ =	shalt  }
0x85: {  	_ =	shalt  }
0x86: {  	_ =	shalt  }
0x87: {  	_ =	shalt  }
.Lfunc_end0:
.L_simem_size_0:
called_computation.1_lowered:
.L_overlay_start_0:
0x88: {  	s2 =	sld [smem:$0x3FD9]  }
0x89: {  	s3 =	sld [smem:$0x3FFE];
	_ =	sdelay $0x1  }
0x8a: {  	s1 =	srdreg.scid  }
0x8b: {  	s0 =	sand.u32 $0x1, s1  }
0x8c: {  	s16 =	sshll.u32 s0, $0xA;
	s2 =	sadd.s32 s3, s2  }
0x8d: {  	s2 =	sadd.s32 s2, s16  }
0x8e: {  	[smem:$0x3FBB] =	sst s2  }
0x8f: {  	_ = 	snop  }
0x90: {  	(tm) =	ssettm $0x1  }
0x91: {  	s17 =	sld [smem:$0x3FFB];
	_ =	sdelay $0x3  }
0x92: {  	_ =	strace s17  }
0x93: {  	s2 =	sld [smem:$0x3FFC];
	_ =	sdelay $0x3  }
0x94: {  	_ =	strace s2  }
0x95: {  	s2 =	sld [smem:$0x3FFD];
	_ =	sdelay $0x3  }
0x96: {  	_ =	strace s2  }
0x97: {  	_ =	strace $0x8FFFFFFF  }
0x98: {  	s18 =	sld [smem:$0x3FDB];
	_ =	sdelay $0x1  }
0x99: {  	s19 =	simm.s32 $_scs_section_size  }
0x9a: {  	s4 =	simm.s32 $_size__tile_overlayer_lowered;
	s5 =	simm.s32 $_tile_overlayer_lowered  }
0x9b: {  	s22 =	simm.s32 $0x1BFF;
	s21 =	sshll.u32 s5, $0x1;
	s2 =	sadd.s32 s19, s18  }
0x9c: {  	s6 =	simm.s32 $0x0;
	s20 =	sshll.u32 s4, $0x1;
	s4 =	sadd.s32 s21, s2  }
0x9d: {  	[timem:s6], [sflag:s22] =	dma.local [hbm:s4], s20  }
0x9e: {  	_ =	swait.ge [sflag:s22], s20  }
0x9f: {  	s3 =	ssub.s32 $0x0, s20;
	[sflag:s22] =	ssyncset.done $0x0  }
0xa0: {  	[sflag:s22] =	ssyncadd.s32 s3;
	_ =	sdelay $0x1  }
0xa1: {  	s23 =	simm.s32 $0x1B8B  }
0xa2: {  	_ =	swait.ge [sflag:s23], $0x1  }
0xa3: {  	[sflag:s23] =	ssyncset.done $0x0  }
0xa4: {  	s25 =	simm.s32 $0x1B8E;
	s24 =	sld [smem:$0x3FFE];
	[sflag:s23] =	ssyncadd.s32 $0xFFFFFFFF  }
0xa5: {  	s26 =	simm.s32 $execute0_lowered;
	[smem:$0x3FD2] =	sst s25  }
0xa6: {  	s4 =	sshll.u32 s26, $0x1;
	_ =	strace $0x80000049;
	[dreg:$0x1] =	wrdreg $0xFFFFFFFF  }
0xa7: {  	s28 =	simm.s32 $_size_execute0_lowered;
	s2 =	sadd.s32 s2, s4;
	[dreg:$0x0] =	wrdreg $0x0  }
0xa8: {  	s4 =	sshll.u32 s28, $0x1;
	[dreg:$0x2] =	wrdreg s2  }
0xa9: {  	[dreg:$0x3] =	wrdreg s4  }
0xaa: {  	[dreg:$0x4] =	wrdreg $0xC0  }
0xab: {  	_ =	task [dreg:s6], $0x5FFFF  }
0xac: {  	[dreg:$0x1] =	wrdreg $0xFFFFFFFF  }
0xad: {  	[dreg:$0x0] =	wrdreg $0x60  }
0xae: {  	[dreg:$0x2] =	wrdreg s24  }
0xaf: {  	[dreg:$0x3] =	wrdreg $0x0  }
0xb0: {  	[dreg:$0x4] =	wrdreg $0x9  }
0xb1: {  	_ =	task.clear_ibuf [dreg:s6], $0x5FFFF;
	_ =	strace $0x90000049  }
0xb2: {  	s29 =	simm.s32 $0x9;
	_ =	strace $0x8000004B  }
0xb3: {  	_ =	swait.ge [sflag:s29], $0x1  }
0xb4: {  	[sflag:s29] =	ssyncadd.s32 $0xFFFFFFFF  }
0xb5: {  	_ =	strace $0x9000004B  }
0xb6: {  	_ =	sfence  }
0xb7: {  	s30 =	sld [smem:$0x0];
	_ =	sdelay $0x2  }
0xb8: {  	s31 =	sshll.u32 s1, $0xD;
	s1 =	sshrl.u32 s1, $0x2  }
0xb9: {  	s3 =	sand.u32 $0x4000, s31;
	s1 =	sadd.s32 s1, s30  }
0xba: {  	s0 =	sor.u32 s3, s0;
	s1 =	sshll.u32 s1, $0x11  }
0xbb: {  	s0 =	sor.u32 s1, s0  }
0xbc: {  	s0 =	sadd.s32 $0x8F2B, s0  }
0xbd: {  	[sflag:s0] =	ssyncadd.remote.s32 $0x1  }
0xbe: {  	_ =	sfence.sel $0xFFFF  }
0xbf: {  	[dreg:$0x0] =	wrdreg $0xFFFFFFFF;
	(pc) =	sbr.abs _section_cstart, $3  }
0xc0: {  	[dreg:$0x1] =	wrdreg $0xFFFFFFFF  }
0xc1: {  	_ =	task.clear_ibuf [dreg:s6], $0x2FFFF;
	_ =	strace $0x9FFFFFFF  }
0xc2: {  	(tm) =	ssettm $0x7FFFFFFF  }
0xc3: {  	_ =	shalt  }
tec
execute0_lowered:
.L_overlay_start_1:
0x0: {  	(tag) =	ssettag $0x1  }
0x1: {  	s5 =	rddreg [dreg:$0x0]  }
0x2: {  	s2 =	rddreg [dreg:$0x1]  }
0x3: {  	s0 =	rddreg [dreg:$0x2];
	s3 =	simm.s32 $0x0  }
0x4: {  	s1 =	stileid.u32;
	s4 =	srdreg.scid;
	s16 =	simm.s32 $0x15000  }
0x5: {  	s17 =	simm.s32 $0x80;
	s18 =	simm.s32 $0x16400;
	s19 =	simm.s32 $0x1  }
0x6: {  	s20 =	simm.s32 $0x1A400;
	s21 =	simm.s32 $0x2;
	s22 =	simm.s32 $0x14F80  }
0x7: {  	s23 =	simm.s32 $0x16300;
	s24 =	simm.s32 $0x16380;
	s25 =	simm.s32 $0x0  }
0x8: {  	[smem:$0x7FF] =	sst s3;
	s6 =	smul.u32 $0x13C00, s1;
	s7 =	sand.u32 $0x1, s4  }
0x9: {  	s4 =	sadd.s32 $0x33800, s5;
	s10 =	sadd.s32 $0x83000, s5;
	s11 =	sadd.s32 $0x2000, s5  }
0xa: {  	s29 =	smul.u32 $0x4F000, s1;
	s30 =	sshll.u32 s1, $0x6;
	_ =	strace $0x8000004A  }
0xb: {  	s9 =	smul.u32 $0x13C000, s7;
	s12 =	sshll.u32 s7, $0x4;
	s7 =	ssub.s32 $0x2, s7  }
0xc: {  	s8 =	sshrl.u32 s6, $0x3;
	s12 =	sor.u32 s1, s12;
	s13 =	sshrl.u32 s7, $0x1  }
0xd: {  	s8 =	sadd.s32 s8, s5;
	s6 =	sadd.s32 s6, s9;
	s12 =	smul.u32 $0x2800, s12  }
0xe: {  	s9 =	sshrl.u32 s29, $0x2;
	s13 =	ssub.s32 s7, s13;
	s6 =	sshrl.u32 s6, $0x3  }
0xf: {  	s15 =	sadd.s32 s9, s2;
	s14 =	sadd.s32 s6, s5;
	s31 =	sshrl.u32 s12, $0x3  }
0x10: {  	s5 =	sadd.s32 $0xC000, s8;
	s6 =	sor.u32 $0x1C03, s30;
	s12 =	sadd.s32 $0x280, s31  }
0x11: {  	s7 =	sadd.s32 s10, s31;
	s8 =	sadd.s32 s11, s31;
	s9 =	sadd.s32 s10, s12  }
0x12: {  	s10 =	sadd.s32 s11, s12;
	s11 =	sadd.s32 $0x8D000, s14;
	s12 =	smax.u32 s13, $0x1  }
0x13: {  	s13 =	sshrl.u32 s15, $0x3;
	s14 =	simm.s32 $0x3;
	s15 =	simm.s32 $0x13C00  }
.LBB2_1:
0x14: {  	[spmem:s13], [sflag:s6] =	dma.local [hbm:s5], $0x2780  }
0x15: {  	_ =	swait.ge [sflag:s14], $0x2780  }
0x16: {  	[sflag:s14] =	ssyncset.done $0x0  }
0x17: {  	[sflag:s14] =	ssyncadd.s32 $0xFFFFD880  }
0x18: {  	[bflag:$0x0] =	sbarrier.arrive $0xFFFF  }
0x19: {  	[tilespmem:s15], [sflag:$0x3] =	stream.linear.gather [hbm4b:s7+s3], $0x1400, $0x38;
	[tilespmem:$0x1E400] =	vst v63  }
0x1a: {  	_ =	swait.ge [sflag:s14], $0x1400  }
0x1b: {  	[sflag:s14] =	ssyncset.done $0x0  }
0x1c: {  	[sflag:s14] =	ssyncadd.s32 $0xFFFFEC00  }
0x1d: {  	[tilespmem:s16], [sflag:$0x3] =	stream.linear.gather [hbm4b:s8+s3], $0x1400, $0x38;
	[tilespmem:$0x1E400] =	vst v63  }
0x1e: {  	_ =	swait.ge [sflag:s14], $0x1400  }
0x1f: {  	[sflag:s14] =	ssyncset.done $0x0  }
0x20: {  	[sflag:s14] =	ssyncadd.s32 $0xFFFFEC00  }
0x21: {  	[tilespmem:s18], [sflag:$0x1] =	stream.indirect.gather [hbm4b:s4+s17], $0x80, s15, s17, $0xb8;
	[tilespmem:$0x1E400] =	vst v63  }
0x22: {  	_ =	swait.ge [sflag:s19], $0x4000  }
0x23: {  	[sflag:s19] =	ssyncset.done $0x0  }
0x24: {  	s26 =	simm.s32 $0x13C80;
	[sflag:s19] =	ssyncadd.s32 $0xFFFFC000  }
0x25: {  	[tilespmem:s20], [sflag:$0x2] =	stream.indirect.gather [hbm4b:s4+s17], $0x80, s26, s17, $0xb8;
	[tilespmem:$0x1E400] =	vst v63  }
0x26: {  	s29 =	simm.s32 $0x15000  }
0x27: {  	[spmem:s2] =	stream.indirect.scatter.add.f32 [tilespmem:s18], [sflag:$0x3], $0x80, s29, s17, $0xb8;
	[tilespmem:$0x1E400] =	vst v63  }
0x28: {  	_ =	swait.ge [sflag:s14], $0x4000  }
0x29: {  	[sflag:s14] =	ssyncset.done $0x0  }
0x2a: {  	[sflag:s14] =	ssyncadd.s32 $0xFFFFC000  }
0x2b: {  	_ =	swait.ge [sflag:s21], $0x4000  }
0x2c: {  	[sflag:s21] =	ssyncset.done $0x0  }
0x2d: {  	s30 =	simm.s32 $0x13D00;
	[sflag:s21] =	ssyncadd.s32 $0xFFFFC000  }
0x2e: {  	[tilespmem:s18], [sflag:$0x1] =	stream.indirect.gather [hbm4b:s4+s17], $0x80, s30, s17, $0xb8;
	[tilespmem:$0x1E400] =	vst v63  }
0x2f: {  	s31 =	simm.s32 $0x15080  }
0x30: {  	[spmem:s2] =	stream.indirect.scatter.add.f32 [tilespmem:s20], [sflag:$0x3], $0x80, s31, s17, $0xb8;
	[tilespmem:$0x1E400] =	vst v63  }
0x31: {  	_ =	swait.ge [sflag:s14], $0x4000  }
0x32: {  	s26 =	simm.s32 $0x400;
	[sflag:s14] =	ssyncset.done $0x0  }
.LBB2_2:
0x33: {  	p0 =	sne.s32 s26, $0x4800  }
0x34: {  	[sflag:s14] =	ssyncadd.s32 $0xFFFFC000;
	s28 =	smov.u32 s26;
	s26 =	sadd.s32 $0x400, s26  }
0x35: {  	_ = 	snop  }
0x36: {  	_ =	swait.ge [sflag:s19], $0x4000  }
0x37: {  	s28 =	sshra.s32 s28, $0x2;
	[sflag:s19] =	ssyncset.done $0x0  }
0x38: {  	s29 =	sadd.s32 $0x13C80, s28;
	[sflag:s19] =	ssyncadd.s32 $0xFFFFC000  }
0x39: {  	[tilespmem:s20], [sflag:$0x2] =	stream.indirect.gather [hbm4b:s4+s17], $0x80, s29, s17, $0xb8;
	[tilespmem:$0x1E400] =	vst v63  }
0x3a: {  	s29 =	sadd.s32 $0x15000, s28  }
0x3b: {  	[spmem:s2] =	stream.indirect.scatter.add.f32 [tilespmem:s18], [sflag:$0x3], $0x80, s29, s17, $0xb8;
	[tilespmem:$0x1E400] =	vst v63  }
0x3c: {  	_ =	swait.ge [sflag:s14], $0x4000  }
0x3d: {  	[sflag:s14] =	ssyncset.done $0x0  }
0x3e: {  	[sflag:s14] =	ssyncadd.s32 $0xFFFFC000  }
0x3f: {  	_ =	swait.ge [sflag:s21], $0x4000  }
0x40: {  	[sflag:s21] =	ssyncset.done $0x0  }
0x41: {  	s29 =	sadd.s32 $0x13D00, s28;
	[sflag:s21] =	ssyncadd.s32 $0xFFFFC000  }
0x42: {  	[tilespmem:s18], [sflag:$0x1] =	stream.indirect.gather [hbm4b:s4+s17], $0x80, s29, s17, $0xb8;
	[tilespmem:$0x1E400] =	vst v63  }
.Ltmp0:
0x43: {  	_ = 	snop;
	(pc) =	sbr.rel @p0 .LBB2_2-.Ltmp0, $4  }
0x44: {  	s28 =	sadd.s32 $0x15080, s28  }
0x45: {  	[spmem:s2] =	stream.indirect.scatter.add.f32 [tilespmem:s20], [sflag:$0x3], $0x80, s28, s17, $0xb8;
	[tilespmem:$0x1E400] =	vst v63  }
0x46: {  	_ =	swait.ge [sflag:s14], $0x4000  }
0x47: {  	[sflag:s14] =	ssyncset.done $0x0  }
0x48: {  	[sflag:s14] =	ssyncadd.s32 $0xFFFFC000  }
0x49: {  	_ =	swait.ge [sflag:s19], $0x4000  }
0x4a: {  	[sflag:s19] =	ssyncset.done $0x0  }
0x4b: {  	[sflag:s19] =	ssyncadd.s32 $0xFFFFC000  }
0x4c: {  	[tilespmem:s20], [sflag:$0x2] =	stream.indirect.gather [hbm4b:s4+s17], $0x80, s22, s17, $0xb8;
	[tilespmem:$0x1E400] =	vst v63  }
0x4d: {  	_ = 	snop  }
0x4e: {  	[spmem:s2] =	stream.indirect.scatter.add.f32 [tilespmem:s18], [sflag:$0x3], $0x80, s23, s17, $0xb8;
	[tilespmem:$0x1E400] =	vst v63  }
0x4f: {  	_ =	swait.ge [sflag:s14], $0x4000  }
0x50: {  	[sflag:s14] =	ssyncset.done $0x0  }
0x51: {  	[sflag:s14] =	ssyncadd.s32 $0xFFFFC000  }
0x52: {  	_ =	swait.ge [sflag:s21], $0x4000  }
0x53: {  	[sflag:s21] =	ssyncset.done $0x0  }
0x54: {  	[sflag:s21] =	ssyncadd.s32 $0xFFFFC000  }
0x55: {  	[tilespmem:s18], [sflag:$0x1] =	stream.indirect.gather [hbm4b:s4+s17], $0x80, s15, s17, $0xb8;
	[tilespmem:$0x1E400] =	vst v63  }
0x56: {  	_ = 	snop  }
0x57: {  	[spmem:s2] =	stream.indirect.scatter.add.f32 [tilespmem:s20], [sflag:$0x3], $0x80, s24, s17, $0xb8;
	[tilespmem:$0x1E400] =	vst v63  }
0x58: {  	_ =	swait.ge [sflag:s14], $0x4000  }
0x59: {  	[sflag:s14] =	ssyncset.done $0x0  }
0x5a: {  	[sflag:s14] =	ssyncadd.s32 $0xFFFFC000  }
0x5b: {  	_ =	swait.ge [sflag:s19], $0x4000  }
0x5c: {  	[sflag:s19] =	ssyncset.done $0x0  }
0x5d: {  	s26 =	simm.s32 $0x0;
	[sflag:s19] =	ssyncadd.s32 $0xFFFFC000  }
0x5e: {  	[tilespmem:s15], [sflag:$0x3] =	stream.linear.gather [hbm4b:s9+s26], $0x1400, $0x38;
	[tilespmem:$0x1E400] =	vst v63  }
0x5f: {  	_ =	swait.ge [sflag:s14], $0x1400  }
0x60: {  	[sflag:s14] =	ssyncset.done $0x0  }
0x61: {  	[sflag:s14] =	ssyncadd.s32 $0xFFFFEC00  }
0x62: {  	[tilespmem:s16], [sflag:$0x3] =	stream.linear.gather [hbm4b:s10+s26], $0x1400, $0x38;
	[tilespmem:$0x1E400] =	vst v63  }
0x63: {  	_ =	swait.ge [sflag:s14], $0x1400  }
0x64: {  	[sflag:s14] =	ssyncset.done $0x0  }
0x65: {  	[sflag:s14] =	ssyncadd.s32 $0xFFFFEC00  }
0x66: {  	[tilespmem:s18], [sflag:$0x1] =	stream.indirect.gather [hbm4b:s4+s17], $0x80, s15, s17, $0xb8;
	[tilespmem:$0x1E400] =	vst v63  }
0x67: {  	_ =	swait.ge [sflag:s19], $0x4000  }
0x68: {  	[sflag:s19] =	ssyncset.done $0x0  }
0x69: {  	s28 =	simm.s32 $0x13C80;
	[sflag:s19] =	ssyncadd.s32 $0xFFFFC000  }
0x6a: {  	[tilespmem:s20], [sflag:$0x2] =	stream.indirect.gather [hbm4b:s4+s17], $0x80, s28, s17, $0xb8;
	[tilespmem:$0x1E400] =	vst v63  }
0x6b: {  	s29 =	simm.s32 $0x15000  }
0x6c: {  	[spmem:s2] =	stream.indirect.scatter.add.f32 [tilespmem:s18], [sflag:$0x3], $0x80, s29, s17, $0xb8;
	[tilespmem:$0x1E400] =	vst v63  }
0x6d: {  	_ =	swait.ge [sflag:s14], $0x4000  }
0x6e: {  	[sflag:s14] =	ssyncset.done $0x0  }
0x6f: {  	[sflag:s14] =	ssyncadd.s32 $0xFFFFC000  }
0x70: {  	_ =	swait.ge [sflag:s21], $0x4000  }
0x71: {  	[sflag:s21] =	ssyncset.done $0x0  }
0x72: {  	s30 =	simm.s32 $0x13D00;
	[sflag:s21] =	ssyncadd.s32 $0xFFFFC000  }
0x73: {  	[tilespmem:s18], [sflag:$0x1] =	stream.indirect.gather [hbm4b:s4+s17], $0x80, s30, s17, $0xb8;
	[tilespmem:$0x1E400] =	vst v63  }
0x74: {  	s31 =	simm.s32 $0x15080  }
0x75: {  	[spmem:s2] =	stream.indirect.scatter.add.f32 [tilespmem:s20], [sflag:$0x3], $0x80, s31, s17, $0xb8;
	[tilespmem:$0x1E400] =	vst v63  }
0x76: {  	_ =	swait.ge [sflag:s14], $0x4000  }
0x77: {  	s26 =	simm.s32 $0x400;
	[sflag:s14] =	ssyncset.done $0x0  }
.LBB2_4:
0x78: {  	p0 =	sne.s32 s26, $0x4800  }
0x79: {  	[sflag:s14] =	ssyncadd.s32 $0xFFFFC000;
	s28 =	smov.u32 s26;
	s26 =	sadd.s32 $0x400, s26  }
0x7a: {  	_ = 	snop  }
0x7b: {  	_ =	swait.ge [sflag:s19], $0x4000  }
0x7c: {  	s28 =	sshra.s32 s28, $0x2;
	[sflag:s19] =	ssyncset.done $0x0  }
0x7d: {  	s29 =	sadd.s32 $0x13C80, s28;
	[sflag:s19] =	ssyncadd.s32 $0xFFFFC000  }
0x7e: {  	[tilespmem:s20], [sflag:$0x2] =	stream.indirect.gather [hbm4b:s4+s17], $0x80, s29, s17, $0xb8;
	[tilespmem:$0x1E400] =	vst v63  }
0x7f: {  	s29 =	sadd.s32 $0x15000, s28  }
0x80: {  	[spmem:s2] =	stream.indirect.scatter.add.f32 [tilespmem:s18], [sflag:$0x3], $0x80, s29, s17, $0xb8;
	[tilespmem:$0x1E400] =	vst v63  }
0x81: {  	_ =	swait.ge [sflag:s14], $0x4000  }
0x82: {  	[sflag:s14] =	ssyncset.done $0x0  }
0x83: {  	[sflag:s14] =	ssyncadd.s32 $0xFFFFC000  }
0x84: {  	_ =	swait.ge [sflag:s21], $0x4000  }
0x85: {  	[sflag:s21] =	ssyncset.done $0x0  }
0x86: {  	s29 =	sadd.s32 $0x13D00, s28;
	[sflag:s21] =	ssyncadd.s32 $0xFFFFC000  }
0x87: {  	[tilespmem:s18], [sflag:$0x1] =	stream.indirect.gather [hbm4b:s4+s17], $0x80, s29, s17, $0xb8;
	[tilespmem:$0x1E400] =	vst v63  }
.Ltmp1:
0x88: {  	_ = 	snop;
	(pc) =	sbr.rel @p0 .LBB2_4-.Ltmp1, $4  }
0x89: {  	s28 =	sadd.s32 $0x15080, s28  }
0x8a: {  	[spmem:s2] =	stream.indirect.scatter.add.f32 [tilespmem:s20], [sflag:$0x3], $0x80, s28, s17, $0xb8;
	[tilespmem:$0x1E400] =	vst v63  }
0x8b: {  	_ =	swait.ge [sflag:s14], $0x4000  }
0x8c: {  	[sflag:s14] =	ssyncset.done $0x0  }
0x8d: {  	[sflag:s14] =	ssyncadd.s32 $0xFFFFC000  }
0x8e: {  	_ =	swait.ge [sflag:s19], $0x4000  }
0x8f: {  	[sflag:s19] =	ssyncset.done $0x0  }
0x90: {  	[sflag:s19] =	ssyncadd.s32 $0xFFFFC000  }
0x91: {  	[tilespmem:s20], [sflag:$0x2] =	stream.indirect.gather [hbm4b:s4+s17], $0x80, s22, s17, $0xb8;
	[tilespmem:$0x1E400] =	vst v63  }
0x92: {  	_ = 	snop  }
0x93: {  	[spmem:s2] =	stream.indirect.scatter.add.f32 [tilespmem:s18], [sflag:$0x3], $0x80, s23, s17, $0xb8;
	[tilespmem:$0x1E400] =	vst v63  }
0x94: {  	_ =	swait.ge [sflag:s14], $0x4000  }
0x95: {  	[sflag:s14] =	ssyncset.done $0x0  }
0x96: {  	[sflag:s14] =	ssyncadd.s32 $0xFFFFC000  }
0x97: {  	_ =	swait.ge [sflag:s21], $0x4000  }
0x98: {  	[sflag:s21] =	ssyncset.done $0x0  }
0x99: {  	[sflag:s21] =	ssyncadd.s32 $0xFFFFC000  }
0x9a: {  	[tilespmem:s18], [sflag:$0x1] =	stream.indirect.gather [hbm4b:s4+s17], $0x80, s15, s17, $0xb8;
	[tilespmem:$0x1E400] =	vst v63  }
0x9b: {  	_ = 	snop  }
0x9c: {  	[spmem:s2] =	stream.indirect.scatter.add.f32 [tilespmem:s20], [sflag:$0x3], $0x80, s24, s17, $0xb8;
	[tilespmem:$0x1E400] =	vst v63  }
0x9d: {  	_ =	swait.ge [sflag:s14], $0x4000  }
0x9e: {  	[sflag:s14] =	ssyncset.done $0x0  }
0x9f: {  	[sflag:s14] =	ssyncadd.s32 $0xFFFFC000  }
0xa0: {  	_ =	swait.ge [sflag:s19], $0x4000  }
0xa1: {  	s25 =	sadd.s32 $0x1, s25;
	[sflag:s19] =	ssyncset.done $0x0  }
0xa2: {  	p0 =	sne.s32 s25, s12;
	[sflag:s19] =	ssyncadd.s32 $0xFFFFC000  }
.Ltmp2:
0xa3: {  	[bflag:$0x0] =	sbarrier.arrive $0xFFFF;
	(pc) =	sbr.rel @p0 .LBB2_1-.Ltmp2, $4  }
0xa4: {  	[hbm:s11], [sflag:s6] =	dma.local [spmem:s13], $0x2780  }
0xa5: {  	_ =	swait.ge [sflag:s14], $0x2780  }
0xa6: {  	[sflag:s14] =	ssyncset.done $0x0  }
0xa7: {  	[sflag:s14] =	ssyncadd.s32 $0xFFFFD880  }
0xa8: {  	_ =	sfence.sel $0x180000  }
0xa9: {  	[bflag:$0x0] =	sbarrier.arrive $0xFFFF  }
0xaa: {  	p0 =	sne.s32 s1, $0x0;
	_ =	strace $0x9000004A  }
0xab: {  	s0 =	sadd.s32 @!p0 $0x100000, s0;
	[bflag:$0x2] =	sbarrier.arrive $0xFFFF  }
0xac: {  	[sflag:s0] =	ssyncadd.tile.s32 @!p0 $0x1;
	_ =	shalt  }
.Lfunc_end2:
_tile_overlayer_lowered:
.L_overlay_start_2:
0xad: {  	(tag) =	ssettag $0x2  }
0xae: {  	s0 =	rddreg [dreg:$0x0];
	s2 =	stileid.u32  }
0xaf: {  	s1 =	rddreg [dreg:$0x1];
	p0 =	sne.s32 s2, $0x0  }
0xb0: {  	s3 =	rddreg [dreg:$0x2];
	[bflag:$0x3] =	sbarrier.arrive $0xFFFF;
	s2 =	simm.s32 @!p0 $0x1C03  }
0xb1: {  	[timem:s3], [sflag:s2] =	dma.local @!p0 [hbm:s0], s1  }
0xb2: {  	s0 =	simm.s32 @!p0 $0x3  }
0xb3: {  	_ =	swait.ge @!p0 [sflag:s0], s1  }
0xb4: {  	s1 =	ssub.s32 @!p0 $0x0, s1;
	[sflag:s0] =	ssyncset.done @!p0 $0x0  }
0xb5: {  	[sflag:s0] =	ssyncadd.s32 @!p0 s1  }
0xb6: {  	[bflag:$0x3] =	sbarrier.arrive $0xFFFF  }
0xb7: {  	_ =	shalt  }

// kernel: kernel.15.cloned.1.call-start
scs
__scs_entry_jumppad:
0x0: {  	(pc) =	sbr.rel $0x88, $3  }
0x1: {  	(tag) =	ssettag $0x0;
	lr =	simm.s32 $0x1  }
0x2: {  	[smem:$0x3F94] =	sst lr;
	_ =	strace $0xD0000000  }
0x3: {  	_ = 	snop  }
0x4: {  	_ = 	snop  }
0x5: {  	_ = 	snop  }
0x6: {  	_ = 	snop  }
0x7: {  	_ = 	snop  }
__scs_overlays_trampoline_lowered:
0x8: {  	[smem:$0x3FA3] =	sst s0  }
0x9: {  	[smem:$0x3FA4] =	sst s1  }
0xa: {  	[smem:$0x3FA5] =	sst s2  }
0xb: {  	[smem:$0x3FA6] =	sst s3  }
0xc: {  	[smem:$0x3FA7] =	sst s4  }
0xd: {  	[smem:$0x3FA8] =	sst s5  }
0xe: {  	[smem:$0x3FA9] =	sst s6  }
0xf: {  	[smem:$0x3FAA] =	sst s7  }
0x10: {  	[smem:$0x3FAB] =	sst s8  }
0x11: {  	[smem:$0x3FAC] =	sst s9;
	s0 =	simm.s32 @!p0 $0x0  }
0x12: {  	s1 =	sld [smem:$0x3F92];
	s0 =	simm.s32 @p0 $0x1  }
0x13: {  	[smem:$0x3FAD] =	sst s0;
	s0 =	simm.s32 @!p1 $0x0  }
0x14: {  	s2 =	sld [smem:$0x3F91];
	s0 =	simm.s32 @p1 $0x1  }
0x15: {  	[smem:$0x3FAE] =	sst s0;
	s0 =	simm.s32 @!p2 $0x0  }
0x16: {  	s3 =	sld [smem:$0x3FDB];
	s0 =	simm.s32 @p2 $0x1  }
0x17: {  	s4 =	simm.s32 $0x1BF5;
	[smem:$0x3FB0] =	sst s0  }
0x18: {  	s0 =	sld [smem:$0x3F93];
	_ =	swait.ge [sflag:s4], $0x0  }
0x19: {  	s7 =	sld [smem:$0x3F94]  }
0x1a: {  	s8 =	sadd.s32 $0xFFFFE003, lr  }
0x1b: {  	s9 =	sadd.s32 $0xFFFFFEF7, lr;
	s5 =	simm.s32 $0xFFFFFFFF;
	p2 =	slt.u32 s8, $0xFFFFF086  }
0x1c: {  	p1 =	slt.u32 s9, $0xF7A;
	s5 =	simm.s32 @!p2 $0x0  }
0x1d: {  	s5 =	simm.s32 @p1 $0x1;
	p0 =	seq.s32 s7, s2  }
0x1e: {  	s7 =	smul.u32 @!p0 $0xF7A, s2;
	p2 =	seq.s32 @!p0 s5, $0x0  }
0x1f: {  	s9 =	smul.u32 $0xF7A, s1;
	s8 =	simm.s32 @!p0 $0x1BF5;
	p2 =	por !p2, p0  }
0x20: {  	[sflag:s8] =	ssyncset.s32 @!p0 $0xFFFFF086;
	s6 =	sadd.s32 @!p0 s3, s7;
	s7 =	simm.s32 @!p0 $0x108  }
0x21: {  	s3 =	sadd.s32 s3, s9;
	s6 =	sadd.s32 @!p0 $0x88, s6;
	s7 =	simm.s32 @p2 $0x1082  }
0x22: {  	[simem:s7], [sflag:s8] =	dma.local @!p0 [hbm:s6], $0xF7A  }
0x23: {  	s9 =	sor.u32 $0xD0000000, s2;
	s6 =	simm.s32 $0x108;
	_ =	swait.ge @!p0 [sflag:s8], $0x0  }
0x24: {  	s3 =	sadd.s32 $0x88, s3;
	s6 =	simm.s32 @!p1 $0x1082;
	[sflag:s4] =	ssyncset.s32 $0xFFFFF086  }
0x25: {  	[simem:s6], [sflag:s4] =	dma.local [hbm:s3], $0xF7A  }
0x26: {  	[smem:$0x3F94] =	sst s1;
	(tag) =	ssettag s2;
	_ =	strace s9  }
0x27: {  	s1 =	sld [smem:$0x3FA4]  }
0x28: {  	s2 =	sld [smem:$0x3FA5]  }
0x29: {  	s4 =	sld [smem:$0x3FA7]  }
0x2a: {  	p0 =	seq.s32 s5, $0x0;
	s5 =	sld [smem:$0x3FA8]  }
0x2b: {  	s6 =	sld [smem:$0x3FA9]  }
0x2c: {  	s7 =	sld [smem:$0x3FAA]  }
0x2d: {  	s3 =	simm.s32 $0x108;
	s8 =	sld [smem:$0x3FAB]  }
0x2e: {  	s3 =	simm.s32 @!p0 $0x1082;
	s9 =	sld [smem:$0x3FAC]  }
0x2f: {  	lr =	sadd.s32 s0, s3;
	s0 =	sld [smem:$0x3FA3]  }
0x30: {  	s3 =	sld [smem:$0x3FA6]  }
0x31: {  	[smem:$0x3FAF] =	sst s10  }
0x32: {  	s10 =	sld [smem:$0x3FAD];
	_ =	sdelay $0x3  }
0x33: {  	p0 =	seq.s32 s10, $0x1;
	s10 =	sld [smem:$0x3FAF];
	_ =	sdelay $0x3  }
0x34: {  	[smem:$0x3FAF] =	sst s10  }
0x35: {  	s10 =	sld [smem:$0x3FAE];
	_ =	sdelay $0x3  }
0x36: {  	p1 =	seq.s32 s10, $0x1;
	s10 =	sld [smem:$0x3FAF];
	_ =	sdelay $0x3  }
0x37: {  	[smem:$0x3FAF] =	sst s10  }
0x38: {  	s10 =	sld [smem:$0x3FB0]  }
0x39: {  	_ = 	snop;
	(pc) =	sbr.ind lr, $3  }
0x3a: {  	_ = 	snop  }
0x3b: {  	_ = 	snop  }
0x3c: {  	p2 =	seq.s32 s10, $0x1;
	s10 =	sld [smem:$0x3FAF]  }
0x3d: {  	_ =	shalt  }
0x3e: {  	_ =	shalt  }
0x3f: {  	_ =	shalt  }
0x40: {  	_ =	shalt  }
0x41: {  	_ =	shalt  }
0x42: {  	_ =	shalt  }
0x43: {  	_ =	shalt  }
0x44: {  	_ =	shalt  }
0x45: {  	_ =	shalt  }
0x46: {  	_ =	shalt  }
0x47: {  	_ =	shalt  }
0x48: {  	_ =	shalt  }
0x49: {  	_ =	shalt  }
0x4a: {  	_ =	shalt  }
0x4b: {  	_ =	shalt  }
0x4c: {  	_ =	shalt  }
0x4d: {  	_ =	shalt  }
0x4e: {  	_ =	shalt  }
0x4f: {  	_ =	shalt  }
0x50: {  	_ =	shalt  }
0x51: {  	_ =	shalt  }
0x52: {  	_ =	shalt  }
0x53: {  	_ =	shalt  }
0x54: {  	_ =	shalt  }
0x55: {  	_ =	shalt  }
0x56: {  	_ =	shalt  }
0x57: {  	_ =	shalt  }
0x58: {  	_ =	shalt  }
0x59: {  	_ =	shalt  }
0x5a: {  	_ =	shalt  }
0x5b: {  	_ =	shalt  }
0x5c: {  	_ =	shalt  }
0x5d: {  	_ =	shalt  }
0x5e: {  	_ =	shalt  }
0x5f: {  	_ =	shalt  }
0x60: {  	_ =	shalt  }
0x61: {  	_ =	shalt  }
0x62: {  	_ =	shalt  }
0x63: {  	_ =	shalt  }
0x64: {  	_ =	shalt  }
0x65: {  	_ =	shalt  }
0x66: {  	_ =	shalt  }
0x67: {  	_ =	shalt  }
0x68: {  	_ =	shalt  }
0x69: {  	_ =	shalt  }
0x6a: {  	_ =	shalt  }
0x6b: {  	_ =	shalt  }
0x6c: {  	_ =	shalt  }
0x6d: {  	_ =	shalt  }
0x6e: {  	_ =	shalt  }
0x6f: {  	_ =	shalt  }
0x70: {  	_ =	shalt  }
0x71: {  	_ =	shalt  }
0x72: {  	_ =	shalt  }
0x73: {  	_ =	shalt  }
0x74: {  	_ =	shalt  }
0x75: {  	_ =	shalt  }
0x76: {  	_ =	shalt  }
0x77: {  	_ =	shalt  }
0x78: {  	_ =	shalt  }
0x79: {  	_ =	shalt  }
0x7a: {  	_ =	shalt  }
0x7b: {  	_ =	shalt  }
0x7c: {  	_ =	shalt  }
0x7d: {  	_ =	shalt  }
0x7e: {  	_ =	shalt  }
0x7f: {  	_ =	shalt  }
0x80: {  	_ =	shalt  }
0x81: {  	_ =	shalt  }
0x82: {  	_ =	shalt  }
0x83: {  	_ =	shalt  }
0x84: {  	_ =	shalt  }
0x85: {  	_ =	shalt  }
0x86: {  	_ =	shalt  }
0x87: {  	_ =	shalt  }
.Lfunc_end0:
.L_simem_size_0:
called_computation.2_lowered:
.L_overlay_start_0:
0x88: {  	s2 =	sld [smem:$0x3FD9]  }
0x89: {  	s3 =	sld [smem:$0x3FFE];
	_ =	sdelay $0x1  }
0x8a: {  	s1 =	srdreg.scid  }
0x8b: {  	s0 =	sand.u32 $0x1, s1  }
0x8c: {  	s16 =	sshll.u32 s0, $0xA;
	s2 =	sadd.s32 s3, s2  }
0x8d: {  	s2 =	sadd.s32 s2, s16  }
0x8e: {  	[smem:$0x3FBB] =	sst s2  }
0x8f: {  	_ = 	snop  }
0x90: {  	(tm) =	ssettm $0x1  }
0x91: {  	s17 =	sld [smem:$0x3FFB];
	_ =	sdelay $0x3  }
0x92: {  	_ =	strace s17  }
0x93: {  	s2 =	sld [smem:$0x3FFC];
	_ =	sdelay $0x3  }
0x94: {  	_ =	strace s2  }
0x95: {  	s2 =	sld [smem:$0x3FFD];
	_ =	sdelay $0x3  }
0x96: {  	_ =	strace s2  }
0x97: {  	_ =	strace $0x8FFFFFFF  }
0x98: {  	s18 =	sld [smem:$0x3FDB];
	_ =	sdelay $0x1  }
0x99: {  	s19 =	simm.s32 $_scs_section_size  }
0x9a: {  	s4 =	simm.s32 $_size__tile_overlayer_lowered;
	s5 =	simm.s32 $_tile_overlayer_lowered  }
0x9b: {  	s22 =	simm.s32 $0x1BFF;
	s21 =	sshll.u32 s5, $0x1;
	s2 =	sadd.s32 s19, s18  }
0x9c: {  	s6 =	simm.s32 $0x0;
	s20 =	sshll.u32 s4, $0x1;
	s4 =	sadd.s32 s21, s2  }
0x9d: {  	[timem:s6], [sflag:s22] =	dma.local [hbm:s4], s20  }
0x9e: {  	_ =	swait.ge [sflag:s22], s20  }
0x9f: {  	s3 =	ssub.s32 $0x0, s20;
	[sflag:s22] =	ssyncset.done $0x0  }
0xa0: {  	[sflag:s22] =	ssyncadd.s32 s3;
	_ =	sdelay $0x1  }
0xa1: {  	s23 =	simm.s32 $0x1B8B  }
0xa2: {  	_ =	swait.ge [sflag:s23], $0x1  }
0xa3: {  	[sflag:s23] =	ssyncset.done $0x0  }
0xa4: {  	s25 =	simm.s32 $0x1B8E;
	s24 =	sld [smem:$0x3FFE];
	[sflag:s23] =	ssyncadd.s32 $0xFFFFFFFF  }
0xa5: {  	s26 =	simm.s32 $execute0_lowered;
	[smem:$0x3FD2] =	sst s25  }
0xa6: {  	s4 =	sshll.u32 s26, $0x1;
	_ =	strace $0x8000004C;
	[dreg:$0x1] =	wrdreg $0xFFFFFFFF  }
0xa7: {  	s28 =	simm.s32 $_size_execute0_lowered;
	s2 =	sadd.s32 s2, s4;
	[dreg:$0x0] =	wrdreg $0x0  }
0xa8: {  	s4 =	sshll.u32 s28, $0x1;
	[dreg:$0x2] =	wrdreg s2  }
0xa9: {  	[dreg:$0x3] =	wrdreg s4  }
0xaa: {  	[dreg:$0x4] =	wrdreg $0xC0  }
0xab: {  	_ =	task [dreg:s6], $0x5FFFF  }
0xac: {  	[dreg:$0x1] =	wrdreg $0xFFFFFFFF  }
0xad: {  	[dreg:$0x0] =	wrdreg $0x60  }
0xae: {  	[dreg:$0x2] =	wrdreg s24  }
0xaf: {  	[dreg:$0x3] =	wrdreg $0x0  }
0xb0: {  	[dreg:$0x4] =	wrdreg $0x9  }
0xb1: {  	_ =	task.clear_ibuf [dreg:s6], $0x5FFFF;
	_ =	strace $0x9000004C  }
0xb2: {  	s29 =	simm.s32 $0x9;
	_ =	strace $0x8000004E  }
0xb3: {  	_ =	swait.ge [sflag:s29], $0x1  }
0xb4: {  	[sflag:s29] =	ssyncadd.s32 $0xFFFFFFFF  }
0xb5: {  	_ =	strace $0x9000004E  }
0xb6: {  	_ =	sfence  }
0xb7: {  	s30 =	sld [smem:$0x0];
	_ =	sdelay $0x2  }
0xb8: {  	s31 =	sshll.u32 s1, $0xD;
	s1 =	sshrl.u32 s1, $0x2  }
0xb9: {  	s3 =	sand.u32 $0x4000, s31;
	s1 =	sadd.s32 s1, s30  }
0xba: {  	s0 =	sor.u32 s3, s0;
	s1 =	sshll.u32 s1, $0x11  }
0xbb: {  	s0 =	sor.u32 s1, s0  }
0xbc: {  	s0 =	sadd.s32 $0x8F2B, s0  }
0xbd: {  	[sflag:s0] =	ssyncadd.remote.s32 $0x1  }
0xbe: {  	_ =	sfence.sel $0xFFFF  }
0xbf: {  	[dreg:$0x0] =	wrdreg $0xFFFFFFFF;
	(pc) =	sbr.abs _section_cstart, $3  }
0xc0: {  	[dreg:$0x1] =	wrdreg $0xFFFFFFFF  }
0xc1: {  	_ =	task.clear_ibuf [dreg:s6], $0x2FFFF;
	_ =	strace $0x9FFFFFFF  }
0xc2: {  	(tm) =	ssettm $0x7FFFFFFF  }
0xc3: {  	_ =	shalt  }
tec
execute0_lowered:
.L_overlay_start_1:
0x0: {  	(tag) =	ssettag $0x1  }
0x1: {  	s5 =	rddreg [dreg:$0x0]  }
0x2: {  	s2 =	rddreg [dreg:$0x1]  }
0x3: {  	s0 =	rddreg [dreg:$0x2];
	s3 =	simm.s32 $0x0  }
0x4: {  	s1 =	stileid.u32;
	s4 =	srdreg.scid;
	s16 =	simm.s32 $0x15000  }
0x5: {  	s17 =	simm.s32 $0x80;
	s18 =	simm.s32 $0x16400;
	s19 =	simm.s32 $0x1  }
0x6: {  	s20 =	simm.s32 $0x1A400;
	s21 =	simm.s32 $0x2;
	s22 =	simm.s32 $0x14F80  }
0x7: {  	s23 =	simm.s32 $0x16300;
	s24 =	simm.s32 $0x16380;
	s25 =	simm.s32 $0x0  }
0x8: {  	[smem:$0x7FF] =	sst s3;
	s6 =	smul.u32 $0x13C00, s1;
	s7 =	sand.u32 $0x1, s4  }
0x9: {  	s4 =	sadd.s32 $0x33800, s5;
	s10 =	sadd.s32 $0x83000, s5;
	s11 =	sadd.s32 $0x2000, s5  }
0xa: {  	s29 =	smul.u32 $0x4F000, s1;
	s30 =	sshll.u32 s1, $0x6;
	_ =	strace $0x8000004D  }
0xb: {  	s9 =	smul.u32 $0x13C000, s7;
	s12 =	sshll.u32 s7, $0x4;
	s7 =	ssub.s32 $0x2, s7  }
0xc: {  	s8 =	sshrl.u32 s6, $0x3;
	s12 =	sor.u32 s1, s12;
	s13 =	sshrl.u32 s7, $0x1  }
0xd: {  	s8 =	sadd.s32 s8, s5;
	s6 =	sadd.s32 s6, s9;
	s12 =	smul.u32 $0x2800, s12  }
0xe: {  	s9 =	sshrl.u32 s29, $0x2;
	s13 =	ssub.s32 s7, s13;
	s6 =	sshrl.u32 s6, $0x3  }
0xf: {  	s15 =	sadd.s32 s9, s2;
	s14 =	sadd.s32 s6, s5;
	s31 =	sshrl.u32 s12, $0x3  }
0x10: {  	s5 =	sadd.s32 $0xC000, s8;
	s6 =	sor.u32 $0x1C03, s30;
	s12 =	sadd.s32 $0x280, s31  }
0x11: {  	s7 =	sadd.s32 s10, s31;
	s8 =	sadd.s32 s11, s31;
	s9 =	sadd.s32 s10, s12  }
0x12: {  	s10 =	sadd.s32 s11, s12;
	s11 =	sadd.s32 $0x8D000, s14;
	s12 =	smax.u32 s13, $0x1  }
0x13: {  	s13 =	sshrl.u32 s15, $0x3;
	s14 =	simm.s32 $0x3;
	s15 =	simm.s32 $0x13C00  }
.LBB2_1:
0x14: {  	[spmem:s13], [sflag:s6] =	dma.local [hbm:s5], $0x2780  }
0x15: {  	_ =	swait.ge [sflag:s14], $0x2780  }
0x16: {  	[sflag:s14] =	ssyncset.done $0x0  }
0x17: {  	[sflag:s14] =	ssyncadd.s32 $0xFFFFD880  }
0x18: {  	[bflag:$0x0] =	sbarrier.arrive $0xFFFF  }
0x19: {  	[tilespmem:s15], [sflag:$0x3] =	stream.linear.gather [hbm4b:s7+s3], $0x1400, $0x38;
	[tilespmem:$0x1E400] =	vst v63  }
0x1a: {  	_ =	swait.ge [sflag:s14], $0x1400  }
0x1b: {  	[sflag:s14] =	ssyncset.done $0x0  }
0x1c: {  	[sflag:s14] =	ssyncadd.s32 $0xFFFFEC00  }
0x1d: {  	[tilespmem:s16], [sflag:$0x3] =	stream.linear.gather [hbm4b:s8+s3], $0x1400, $0x38;
	[tilespmem:$0x1E400] =	vst v63  }
0x1e: {  	_ =	swait.ge [sflag:s14], $0x1400  }
0x1f: {  	[sflag:s14] =	ssyncset.done $0x0  }
0x20: {  	[sflag:s14] =	ssyncadd.s32 $0xFFFFEC00  }
0x21: {  	[tilespmem:s18], [sflag:$0x1] =	stream.indirect.gather [hbm4b:s4+s17], $0x80, s15, s17, $0xb8;
	[tilespmem:$0x1E400] =	vst v63  }
0x22: {  	_ =	swait.ge [sflag:s19], $0x4000  }
0x23: {  	[sflag:s19] =	ssyncset.done $0x0  }
0x24: {  	s26 =	simm.s32 $0x13C80;
	[sflag:s19] =	ssyncadd.s32 $0xFFFFC000  }
0x25: {  	[tilespmem:s20], [sflag:$0x2] =	stream.indirect.gather [hbm4b:s4+s17], $0x80, s26, s17, $0xb8;
	[tilespmem:$0x1E400] =	vst v63  }
0x26: {  	s29 =	simm.s32 $0x15000  }
0x27: {  	[spmem:s2] =	stream.indirect.scatter.add.f32 [tilespmem:s18], [sflag:$0x3], $0x80, s29, s17, $0xb8;
	[tilespmem:$0x1E400] =	vst v63  }
0x28: {  	_ =	swait.ge [sflag:s14], $0x4000  }
0x29: {  	[sflag:s14] =	ssyncset.done $0x0  }
0x2a: {  	[sflag:s14] =	ssyncadd.s32 $0xFFFFC000  }
0x2b: {  	_ =	swait.ge [sflag:s21], $0x4000  }
0x2c: {  	[sflag:s21] =	ssyncset.done $0x0  }
0x2d: {  	s30 =	simm.s32 $0x13D00;
	[sflag:s21] =	ssyncadd.s32 $0xFFFFC000  }
0x2e: {  	[tilespmem:s18], [sflag:$0x1] =	stream.indirect.gather [hbm4b:s4+s17], $0x80, s30, s17, $0xb8;
	[tilespmem:$0x1E400] =	vst v63  }
0x2f: {  	s31 =	simm.s32 $0x15080  }
0x30: {  	[spmem:s2] =	stream.indirect.scatter.add.f32 [tilespmem:s20], [sflag:$0x3], $0x80, s31, s17, $0xb8;
	[tilespmem:$0x1E400] =	vst v63  }
0x31: {  	_ =	swait.ge [sflag:s14], $0x4000  }
0x32: {  	s26 =	simm.s32 $0x400;
	[sflag:s14] =	ssyncset.done $0x0  }
.LBB2_2:
0x33: {  	p0 =	sne.s32 s26, $0x4800  }
0x34: {  	[sflag:s14] =	ssyncadd.s32 $0xFFFFC000;
	s28 =	smov.u32 s26;
	s26 =	sadd.s32 $0x400, s26  }
0x35: {  	_ = 	snop  }
0x36: {  	_ =	swait.ge [sflag:s19], $0x4000  }
0x37: {  	s28 =	sshra.s32 s28, $0x2;
	[sflag:s19] =	ssyncset.done $0x0  }
0x38: {  	s29 =	sadd.s32 $0x13C80, s28;
	[sflag:s19] =	ssyncadd.s32 $0xFFFFC000  }
0x39: {  	[tilespmem:s20], [sflag:$0x2] =	stream.indirect.gather [hbm4b:s4+s17], $0x80, s29, s17, $0xb8;
	[tilespmem:$0x1E400] =	vst v63  }
0x3a: {  	s29 =	sadd.s32 $0x15000, s28  }
0x3b: {  	[spmem:s2] =	stream.indirect.scatter.add.f32 [tilespmem:s18], [sflag:$0x3], $0x80, s29, s17, $0xb8;
	[tilespmem:$0x1E400] =	vst v63  }
0x3c: {  	_ =	swait.ge [sflag:s14], $0x4000  }
0x3d: {  	[sflag:s14] =	ssyncset.done $0x0  }
0x3e: {  	[sflag:s14] =	ssyncadd.s32 $0xFFFFC000  }
0x3f: {  	_ =	swait.ge [sflag:s21], $0x4000  }
0x40: {  	[sflag:s21] =	ssyncset.done $0x0  }
0x41: {  	s29 =	sadd.s32 $0x13D00, s28;
	[sflag:s21] =	ssyncadd.s32 $0xFFFFC000  }
0x42: {  	[tilespmem:s18], [sflag:$0x1] =	stream.indirect.gather [hbm4b:s4+s17], $0x80, s29, s17, $0xb8;
	[tilespmem:$0x1E400] =	vst v63  }
.Ltmp0:
0x43: {  	_ = 	snop;
	(pc) =	sbr.rel @p0 .LBB2_2-.Ltmp0, $4  }
0x44: {  	s28 =	sadd.s32 $0x15080, s28  }
0x45: {  	[spmem:s2] =	stream.indirect.scatter.add.f32 [tilespmem:s20], [sflag:$0x3], $0x80, s28, s17, $0xb8;
	[tilespmem:$0x1E400] =	vst v63  }
0x46: {  	_ =	swait.ge [sflag:s14], $0x4000  }
0x47: {  	[sflag:s14] =	ssyncset.done $0x0  }
0x48: {  	[sflag:s14] =	ssyncadd.s32 $0xFFFFC000  }
0x49: {  	_ =	swait.ge [sflag:s19], $0x4000  }
0x4a: {  	[sflag:s19] =	ssyncset.done $0x0  }
0x4b: {  	[sflag:s19] =	ssyncadd.s32 $0xFFFFC000  }
0x4c: {  	[tilespmem:s20], [sflag:$0x2] =	stream.indirect.gather [hbm4b:s4+s17], $0x80, s22, s17, $0xb8;
	[tilespmem:$0x1E400] =	vst v63  }
0x4d: {  	_ = 	snop  }
0x4e: {  	[spmem:s2] =	stream.indirect.scatter.add.f32 [tilespmem:s18], [sflag:$0x3], $0x80, s23, s17, $0xb8;
	[tilespmem:$0x1E400] =	vst v63  }
0x4f: {  	_ =	swait.ge [sflag:s14], $0x4000  }
0x50: {  	[sflag:s14] =	ssyncset.done $0x0  }
0x51: {  	[sflag:s14] =	ssyncadd.s32 $0xFFFFC000  }
0x52: {  	_ =	swait.ge [sflag:s21], $0x4000  }
0x53: {  	[sflag:s21] =	ssyncset.done $0x0  }
0x54: {  	[sflag:s21] =	ssyncadd.s32 $0xFFFFC000  }
0x55: {  	[tilespmem:s18], [sflag:$0x1] =	stream.indirect.gather [hbm4b:s4+s17], $0x80, s15, s17, $0xb8;
	[tilespmem:$0x1E400] =	vst v63  }
0x56: {  	_ = 	snop  }
0x57: {  	[spmem:s2] =	stream.indirect.scatter.add.f32 [tilespmem:s20], [sflag:$0x3], $0x80, s24, s17, $0xb8;
	[tilespmem:$0x1E400] =	vst v63  }
0x58: {  	_ =	swait.ge [sflag:s14], $0x4000  }
0x59: {  	[sflag:s14] =	ssyncset.done $0x0  }
0x5a: {  	[sflag:s14] =	ssyncadd.s32 $0xFFFFC000  }
0x5b: {  	_ =	swait.ge [sflag:s19], $0x4000  }
0x5c: {  	[sflag:s19] =	ssyncset.done $0x0  }
0x5d: {  	s26 =	simm.s32 $0x0;
	[sflag:s19] =	ssyncadd.s32 $0xFFFFC000  }
0x5e: {  	[tilespmem:s15], [sflag:$0x3] =	stream.linear.gather [hbm4b:s9+s26], $0x1400, $0x38;
	[tilespmem:$0x1E400] =	vst v63  }
0x5f: {  	_ =	swait.ge [sflag:s14], $0x1400  }
0x60: {  	[sflag:s14] =	ssyncset.done $0x0  }
0x61: {  	[sflag:s14] =	ssyncadd.s32 $0xFFFFEC00  }
0x62: {  	[tilespmem:s16], [sflag:$0x3] =	stream.linear.gather [hbm4b:s10+s26], $0x1400, $0x38;
	[tilespmem:$0x1E400] =	vst v63  }
0x63: {  	_ =	swait.ge [sflag:s14], $0x1400  }
0x64: {  	[sflag:s14] =	ssyncset.done $0x0  }
0x65: {  	[sflag:s14] =	ssyncadd.s32 $0xFFFFEC00  }
0x66: {  	[tilespmem:s18], [sflag:$0x1] =	stream.indirect.gather [hbm4b:s4+s17], $0x80, s15, s17, $0xb8;
	[tilespmem:$0x1E400] =	vst v63  }
0x67: {  	_ =	swait.ge [sflag:s19], $0x4000  }
0x68: {  	[sflag:s19] =	ssyncset.done $0x0  }
0x69: {  	s28 =	simm.s32 $0x13C80;
	[sflag:s19] =	ssyncadd.s32 $0xFFFFC000  }
0x6a: {  	[tilespmem:s20], [sflag:$0x2] =	stream.indirect.gather [hbm4b:s4+s17], $0x80, s28, s17, $0xb8;
	[tilespmem:$0x1E400] =	vst v63  }
0x6b: {  	s29 =	simm.s32 $0x15000  }
0x6c: {  	[spmem:s2] =	stream.indirect.scatter.add.f32 [tilespmem:s18], [sflag:$0x3], $0x80, s29, s17, $0xb8;
	[tilespmem:$0x1E400] =	vst v63  }
0x6d: {  	_ =	swait.ge [sflag:s14], $0x4000  }
0x6e: {  	[sflag:s14] =	ssyncset.done $0x0  }
0x6f: {  	[sflag:s14] =	ssyncadd.s32 $0xFFFFC000  }
0x70: {  	_ =	swait.ge [sflag:s21], $0x4000  }
0x71: {  	[sflag:s21] =	ssyncset.done $0x0  }
0x72: {  	s30 =	simm.s32 $0x13D00;
	[sflag:s21] =	ssyncadd.s32 $0xFFFFC000  }
0x73: {  	[tilespmem:s18], [sflag:$0x1] =	stream.indirect.gather [hbm4b:s4+s17], $0x80, s30, s17, $0xb8;
	[tilespmem:$0x1E400] =	vst v63  }
0x74: {  	s31 =	simm.s32 $0x15080  }
0x75: {  	[spmem:s2] =	stream.indirect.scatter.add.f32 [tilespmem:s20], [sflag:$0x3], $0x80, s31, s17, $0xb8;
	[tilespmem:$0x1E400] =	vst v63  }
0x76: {  	_ =	swait.ge [sflag:s14], $0x4000  }
0x77: {  	s26 =	simm.s32 $0x400;
	[sflag:s14] =	ssyncset.done $0x0  }
.LBB2_4:
0x78: {  	p0 =	sne.s32 s26, $0x4800  }
0x79: {  	[sflag:s14] =	ssyncadd.s32 $0xFFFFC000;
	s28 =	smov.u32 s26;
	s26 =	sadd.s32 $0x400, s26  }
0x7a: {  	_ = 	snop  }
0x7b: {  	_ =	swait.ge [sflag:s19], $0x4000  }
0x7c: {  	s28 =	sshra.s32 s28, $0x2;
	[sflag:s19] =	ssyncset.done $0x0  }
0x7d: {  	s29 =	sadd.s32 $0x13C80, s28;
	[sflag:s19] =	ssyncadd.s32 $0xFFFFC000  }
0x7e: {  	[tilespmem:s20], [sflag:$0x2] =	stream.indirect.gather [hbm4b:s4+s17], $0x80, s29, s17, $0xb8;
	[tilespmem:$0x1E400] =	vst v63  }
0x7f: {  	s29 =	sadd.s32 $0x15000, s28  }
0x80: {  	[spmem:s2] =	stream.indirect.scatter.add.f32 [tilespmem:s18], [sflag:$0x3], $0x80, s29, s17, $0xb8;
	[tilespmem:$0x1E400] =	vst v63  }
0x81: {  	_ =	swait.ge [sflag:s14], $0x4000  }
0x82: {  	[sflag:s14] =	ssyncset.done $0x0  }
0x83: {  	[sflag:s14] =	ssyncadd.s32 $0xFFFFC000  }
0x84: {  	_ =	swait.ge [sflag:s21], $0x4000  }
0x85: {  	[sflag:s21] =	ssyncset.done $0x0  }
0x86: {  	s29 =	sadd.s32 $0x13D00, s28;
	[sflag:s21] =	ssyncadd.s32 $0xFFFFC000  }
0x87: {  	[tilespmem:s18], [sflag:$0x1] =	stream.indirect.gather [hbm4b:s4+s17], $0x80, s29, s17, $0xb8;
	[tilespmem:$0x1E400] =	vst v63  }
.Ltmp1:
0x88: {  	_ = 	snop;
	(pc) =	sbr.rel @p0 .LBB2_4-.Ltmp1, $4  }
0x89: {  	s28 =	sadd.s32 $0x15080, s28  }
0x8a: {  	[spmem:s2] =	stream.indirect.scatter.add.f32 [tilespmem:s20], [sflag:$0x3], $0x80, s28, s17, $0xb8;
	[tilespmem:$0x1E400] =	vst v63  }
0x8b: {  	_ =	swait.ge [sflag:s14], $0x4000  }
0x8c: {  	[sflag:s14] =	ssyncset.done $0x0  }
0x8d: {  	[sflag:s14] =	ssyncadd.s32 $0xFFFFC000  }
0x8e: {  	_ =	swait.ge [sflag:s19], $0x4000  }
0x8f: {  	[sflag:s19] =	ssyncset.done $0x0  }
0x90: {  	[sflag:s19] =	ssyncadd.s32 $0xFFFFC000  }
0x91: {  	[tilespmem:s20], [sflag:$0x2] =	stream.indirect.gather [hbm4b:s4+s17], $0x80, s22, s17, $0xb8;
	[tilespmem:$0x1E400] =	vst v63  }
0x92: {  	_ = 	snop  }
0x93: {  	[spmem:s2] =	stream.indirect.scatter.add.f32 [tilespmem:s18], [sflag:$0x3], $0x80, s23, s17, $0xb8;
	[tilespmem:$0x1E400] =	vst v63  }
0x94: {  	_ =	swait.ge [sflag:s14], $0x4000  }
0x95: {  	[sflag:s14] =	ssyncset.done $0x0  }
0x96: {  	[sflag:s14] =	ssyncadd.s32 $0xFFFFC000  }
0x97: {  	_ =	swait.ge [sflag:s21], $0x4000  }
0x98: {  	[sflag:s21] =	ssyncset.done $0x0  }
0x99: {  	[sflag:s21] =	ssyncadd.s32 $0xFFFFC000  }
0x9a: {  	[tilespmem:s18], [sflag:$0x1] =	stream.indirect.gather [hbm4b:s4+s17], $0x80, s15, s17, $0xb8;
	[tilespmem:$0x1E400] =	vst v63  }
0x9b: {  	_ = 	snop  }
0x9c: {  	[spmem:s2] =	stream.indirect.scatter.add.f32 [tilespmem:s20], [sflag:$0x3], $0x80, s24, s17, $0xb8;
	[tilespmem:$0x1E400] =	vst v63  }
0x9d: {  	_ =	swait.ge [sflag:s14], $0x4000  }
0x9e: {  	[sflag:s14] =	ssyncset.done $0x0  }
0x9f: {  	[sflag:s14] =	ssyncadd.s32 $0xFFFFC000  }
0xa0: {  	_ =	swait.ge [sflag:s19], $0x4000  }
0xa1: {  	s25 =	sadd.s32 $0x1, s25;
	[sflag:s19] =	ssyncset.done $0x0  }
0xa2: {  	p0 =	sne.s32 s25, s12;
	[sflag:s19] =	ssyncadd.s32 $0xFFFFC000  }
.Ltmp2:
0xa3: {  	[bflag:$0x0] =	sbarrier.arrive $0xFFFF;
	(pc) =	sbr.rel @p0 .LBB2_1-.Ltmp2, $4  }
0xa4: {  	[hbm:s11], [sflag:s6] =	dma.local [spmem:s13], $0x2780  }
0xa5: {  	_ =	swait.ge [sflag:s14], $0x2780  }
0xa6: {  	[sflag:s14] =	ssyncset.done $0x0  }
0xa7: {  	[sflag:s14] =	ssyncadd.s32 $0xFFFFD880  }
0xa8: {  	_ =	sfence.sel $0x180000  }
0xa9: {  	[bflag:$0x0] =	sbarrier.arrive $0xFFFF  }
0xaa: {  	p0 =	sne.s32 s1, $0x0;
	_ =	strace $0x9000004D  }
0xab: {  	s0 =	sadd.s32 @!p0 $0x100000, s0;
	[bflag:$0x2] =	sbarrier.arrive $0xFFFF  }
0xac: {  	[sflag:s0] =	ssyncadd.tile.s32 @!p0 $0x1;
	_ =	shalt  }
.Lfunc_end2:
_tile_overlayer_lowered:
.L_overlay_start_2:
0xad: {  	(tag) =	ssettag $0x2  }
0xae: {  	s0 =	rddreg [dreg:$0x0];
	s2 =	stileid.u32  }
0xaf: {  	s1 =	rddreg [dreg:$0x1];
	p0 =	sne.s32 s2, $0x0  }
0xb0: {  	s3 =	rddreg [dreg:$0x2];
	[bflag:$0x3] =	sbarrier.arrive $0xFFFF;
	s2 =	simm.s32 @!p0 $0x1C03  }
0xb1: {  	[timem:s3], [sflag:s2] =	dma.local @!p0 [hbm:s0], s1  }
0xb2: {  	s0 =	simm.s32 @!p0 $0x3  }
0xb3: {  	_ =	swait.ge @!p0 [sflag:s0], s1  }
0xb4: {  	s1 =	ssub.s32 @!p0 $0x0, s1;
	[sflag:s0] =	ssyncset.done @!p0 $0x0  }
0xb5: {  	[sflag:s0] =	ssyncadd.s32 @!p0 s1  }
0xb6: {  	[bflag:$0x3] =	sbarrier.arrive $0xFFFF  }
0xb7: {  	_ =	shalt  }

// kernel: kernel.9.cloned.1.call-start
scs
__scs_entry_jumppad:
0x0: {  	(pc) =	sbr.rel $0x88, $3  }
0x1: {  	(tag) =	ssettag $0x0;
	lr =	simm.s32 $0x1  }
0x2: {  	[smem:$0x3F94] =	sst lr;
	_ =	strace $0xD0000000  }
0x3: {  	_ = 	snop  }
0x4: {  	_ = 	snop  }
0x5: {  	_ = 	snop  }
0x6: {  	_ = 	snop  }
0x7: {  	_ = 	snop  }
__scs_overlays_trampoline_lowered:
0x8: {  	[smem:$0x3FA3] =	sst s0  }
0x9: {  	[smem:$0x3FA4] =	sst s1  }
0xa: {  	[smem:$0x3FA5] =	sst s2  }
0xb: {  	[smem:$0x3FA6] =	sst s3  }
0xc: {  	[smem:$0x3FA7] =	sst s4  }
0xd: {  	[smem:$0x3FA8] =	sst s5  }
0xe: {  	[smem:$0x3FA9] =	sst s6  }
0xf: {  	[smem:$0x3FAA] =	sst s7  }
0x10: {  	[smem:$0x3FAB] =	sst s8  }
0x11: {  	[smem:$0x3FAC] =	sst s9;
	s0 =	simm.s32 @!p0 $0x0  }
0x12: {  	s1 =	sld [smem:$0x3F92];
	s0 =	simm.s32 @p0 $0x1  }
0x13: {  	[smem:$0x3FAD] =	sst s0;
	s0 =	simm.s32 @!p1 $0x0  }
0x14: {  	s2 =	sld [smem:$0x3F91];
	s0 =	simm.s32 @p1 $0x1  }
0x15: {  	[smem:$0x3FAE] =	sst s0;
	s0 =	simm.s32 @!p2 $0x0  }
0x16: {  	s3 =	sld [smem:$0x3FDB];
	s0 =	simm.s32 @p2 $0x1  }
0x17: {  	s4 =	simm.s32 $0x1BF5;
	[smem:$0x3FB0] =	sst s0  }
0x18: {  	s0 =	sld [smem:$0x3F93];
	_ =	swait.ge [sflag:s4], $0x0  }
0x19: {  	s7 =	sld [smem:$0x3F94]  }
0x1a: {  	s8 =	sadd.s32 $0xFFFFE003, lr  }
0x1b: {  	s9 =	sadd.s32 $0xFFFFFEF7, lr;
	s5 =	simm.s32 $0xFFFFFFFF;
	p2 =	slt.u32 s8, $0xFFFFF086  }
0x1c: {  	p1 =	slt.u32 s9, $0xF7A;
	s5 =	simm.s32 @!p2 $0x0  }
0x1d: {  	s5 =	simm.s32 @p1 $0x1;
	p0 =	seq.s32 s7, s2  }
0x1e: {  	s7 =	smul.u32 @!p0 $0xF7A, s2;
	p2 =	seq.s32 @!p0 s5, $0x0  }
0x1f: {  	s9 =	smul.u32 $0xF7A, s1;
	s8 =	simm.s32 @!p0 $0x1BF5;
	p2 =	por !p2, p0  }
0x20: {  	[sflag:s8] =	ssyncset.s32 @!p0 $0xFFFFF086;
	s6 =	sadd.s32 @!p0 s3, s7;
	s7 =	simm.s32 @!p0 $0x108  }
0x21: {  	s3 =	sadd.s32 s3, s9;
	s6 =	sadd.s32 @!p0 $0x88, s6;
	s7 =	simm.s32 @p2 $0x1082  }
0x22: {  	[simem:s7], [sflag:s8] =	dma.local @!p0 [hbm:s6], $0xF7A  }
0x23: {  	s9 =	sor.u32 $0xD0000000, s2;
	s6 =	simm.s32 $0x108;
	_ =	swait.ge @!p0 [sflag:s8], $0x0  }
0x24: {  	s3 =	sadd.s32 $0x88, s3;
	s6 =	simm.s32 @!p1 $0x1082;
	[sflag:s4] =	ssyncset.s32 $0xFFFFF086  }
0x25: {  	[simem:s6], [sflag:s4] =	dma.local [hbm:s3], $0xF7A  }
0x26: {  	[smem:$0x3F94] =	sst s1;
	(tag) =	ssettag s2;
	_ =	strace s9  }
0x27: {  	s1 =	sld [smem:$0x3FA4]  }
0x28: {  	s2 =	sld [smem:$0x3FA5]  }
0x29: {  	s4 =	sld [smem:$0x3FA7]  }
0x2a: {  	p0 =	seq.s32 s5, $0x0;
	s5 =	sld [smem:$0x3FA8]  }
0x2b: {  	s6 =	sld [smem:$0x3FA9]  }
0x2c: {  	s7 =	sld [smem:$0x3FAA]  }
0x2d: {  	s3 =	simm.s32 $0x108;
	s8 =	sld [smem:$0x3FAB]  }
0x2e: {  	s3 =	simm.s32 @!p0 $0x1082;
	s9 =	sld [smem:$0x3FAC]  }
0x2f: {  	lr =	sadd.s32 s0, s3;
	s0 =	sld [smem:$0x3FA3]  }
0x30: {  	s3 =	sld [smem:$0x3FA6]  }
0x31: {  	[smem:$0x3FAF] =	sst s10  }
0x32: {  	s10 =	sld [smem:$0x3FAD];
	_ =	sdelay $0x3  }
0x33: {  	p0 =	seq.s32 s10, $0x1;
	s10 =	sld [smem:$0x3FAF];
	_ =	sdelay $0x3  }
0x34: {  	[smem:$0x3FAF] =	sst s10  }
0x35: {  	s10 =	sld [smem:$0x3FAE];
	_ =	sdelay $0x3  }
0x36: {  	p1 =	seq.s32 s10, $0x1;
	s10 =	sld [smem:$0x3FAF];
	_ =	sdelay $0x3  }
0x37: {  	[smem:$0x3FAF] =	sst s10  }
0x38: {  	s10 =	sld [smem:$0x3FB0]  }
0x39: {  	_ = 	snop;
	(pc) =	sbr.ind lr, $3  }
0x3a: {  	_ = 	snop  }
0x3b: {  	_ = 	snop  }
0x3c: {  	p2 =	seq.s32 s10, $0x1;
	s10 =	sld [smem:$0x3FAF]  }
0x3d: {  	_ =	shalt  }
0x3e: {  	_ =	shalt  }
0x3f: {  	_ =	shalt  }
0x40: {  	_ =	shalt  }
0x41: {  	_ =	shalt  }
0x42: {  	_ =	shalt  }
0x43: {  	_ =	shalt  }
0x44: {  	_ =	shalt  }
0x45: {  	_ =	shalt  }
0x46: {  	_ =	shalt  }
0x47: {  	_ =	shalt  }
0x48: {  	_ =	shalt  }
0x49: {  	_ =	shalt  }
0x4a: {  	_ =	shalt  }
0x4b: {  	_ =	shalt  }
0x4c: {  	_ =	shalt  }
0x4d: {  	_ =	shalt  }
0x4e: {  	_ =	shalt  }
0x4f: {  	_ =	shalt  }
0x50: {  	_ =	shalt  }
0x51: {  	_ =	shalt  }
0x52: {  	_ =	shalt  }
0x53: {  	_ =	shalt  }
0x54: {  	_ =	shalt  }
0x55: {  	_ =	shalt  }
0x56: {  	_ =	shalt  }
0x57: {  	_ =	shalt  }
0x58: {  	_ =	shalt  }
0x59: {  	_ =	shalt  }
0x5a: {  	_ =	shalt  }
0x5b: {  	_ =	shalt  }
0x5c: {  	_ =	shalt  }
0x5d: {  	_ =	shalt  }
0x5e: {  	_ =	shalt  }
0x5f: {  	_ =	shalt  }
0x60: {  	_ =	shalt  }
0x61: {  	_ =	shalt  }
0x62: {  	_ =	shalt  }
0x63: {  	_ =	shalt  }
0x64: {  	_ =	shalt  }
0x65: {  	_ =	shalt  }
0x66: {  	_ =	shalt  }
0x67: {  	_ =	shalt  }
0x68: {  	_ =	shalt  }
0x69: {  	_ =	shalt  }
0x6a: {  	_ =	shalt  }
0x6b: {  	_ =	shalt  }
0x6c: {  	_ =	shalt  }
0x6d: {  	_ =	shalt  }
0x6e: {  	_ =	shalt  }
0x6f: {  	_ =	shalt  }
0x70: {  	_ =	shalt  }
0x71: {  	_ =	shalt  }
0x72: {  	_ =	shalt  }
0x73: {  	_ =	shalt  }
0x74: {  	_ =	shalt  }
0x75: {  	_ =	shalt  }
0x76: {  	_ =	shalt  }
0x77: {  	_ =	shalt  }
0x78: {  	_ =	shalt  }
0x79: {  	_ =	shalt  }
0x7a: {  	_ =	shalt  }
0x7b: {  	_ =	shalt  }
0x7c: {  	_ =	shalt  }
0x7d: {  	_ =	shalt  }
0x7e: {  	_ =	shalt  }
0x7f: {  	_ =	shalt  }
0x80: {  	_ =	shalt  }
0x81: {  	_ =	shalt  }
0x82: {  	_ =	shalt  }
0x83: {  	_ =	shalt  }
0x84: {  	_ =	shalt  }
0x85: {  	_ =	shalt  }
0x86: {  	_ =	shalt  }
0x87: {  	_ =	shalt  }
.Lfunc_end0:
.L_simem_size_0:
called_computation_lowered:
.L_overlay_start_0:
0x88: {  	s2 =	sld [smem:$0x3FD9]  }
0x89: {  	s3 =	sld [smem:$0x3FFE];
	_ =	sdelay $0x1  }
0x8a: {  	s1 =	srdreg.scid  }
0x8b: {  	s0 =	sand.u32 $0x1, s1  }
0x8c: {  	s16 =	sshll.u32 s0, $0xA;
	s2 =	sadd.s32 s3, s2  }
0x8d: {  	s2 =	sadd.s32 s2, s16  }
0x8e: {  	[smem:$0x3FBB] =	sst s2  }
0x8f: {  	_ = 	snop  }
0x90: {  	(tm) =	ssettm $0x1  }
0x91: {  	s17 =	sld [smem:$0x3FFB];
	_ =	sdelay $0x3  }
0x92: {  	_ =	strace s17  }
0x93: {  	s2 =	sld [smem:$0x3FFC];
	_ =	sdelay $0x3  }
0x94: {  	_ =	strace s2  }
0x95: {  	s2 =	sld [smem:$0x3FFD];
	_ =	sdelay $0x3  }
0x96: {  	_ =	strace s2  }
0x97: {  	_ =	strace $0x8FFFFFFF  }
0x98: {  	s18 =	sld [smem:$0x3FDB];
	_ =	sdelay $0x1  }
0x99: {  	s19 =	simm.s32 $_scs_section_size  }
0x9a: {  	s4 =	simm.s32 $_size__tile_overlayer_lowered;
	s5 =	simm.s32 $_tile_overlayer_lowered  }
0x9b: {  	s22 =	simm.s32 $0x1BFF;
	s21 =	sshll.u32 s5, $0x1;
	s2 =	sadd.s32 s19, s18  }
0x9c: {  	s6 =	simm.s32 $0x0;
	s20 =	sshll.u32 s4, $0x1;
	s4 =	sadd.s32 s21, s2  }
0x9d: {  	[timem:s6], [sflag:s22] =	dma.local [hbm:s4], s20  }
0x9e: {  	_ =	swait.ge [sflag:s22], s20  }
0x9f: {  	s3 =	ssub.s32 $0x0, s20;
	[sflag:s22] =	ssyncset.done $0x0  }
0xa0: {  	[sflag:s22] =	ssyncadd.s32 s3;
	_ =	sdelay $0x1  }
0xa1: {  	s23 =	simm.s32 $0x1B8B  }
0xa2: {  	_ =	swait.ge [sflag:s23], $0x1  }
0xa3: {  	[sflag:s23] =	ssyncset.done $0x0  }
0xa4: {  	s25 =	simm.s32 $0x1B8E;
	s24 =	sld [smem:$0x3FFE];
	[sflag:s23] =	ssyncadd.s32 $0xFFFFFFFF  }
0xa5: {  	s26 =	simm.s32 $execute0_lowered;
	[smem:$0x3FD2] =	sst s25  }
0xa6: {  	s4 =	sshll.u32 s26, $0x1;
	_ =	strace $0x80000046;
	[dreg:$0x1] =	wrdreg $0xFFFFFFFF  }
0xa7: {  	s28 =	simm.s32 $_size_execute0_lowered;
	s2 =	sadd.s32 s2, s4;
	[dreg:$0x0] =	wrdreg $0x0  }
0xa8: {  	s4 =	sshll.u32 s28, $0x1;
	[dreg:$0x2] =	wrdreg s2  }
0xa9: {  	[dreg:$0x3] =	wrdreg s4  }
0xaa: {  	[dreg:$0x4] =	wrdreg $0xC0  }
0xab: {  	_ =	task [dreg:s6], $0x5FFFF  }
0xac: {  	[dreg:$0x1] =	wrdreg $0xFFFFFFFF  }
0xad: {  	[dreg:$0x0] =	wrdreg $0x60  }
0xae: {  	[dreg:$0x2] =	wrdreg s24  }
0xaf: {  	[dreg:$0x3] =	wrdreg $0x0  }
0xb0: {  	[dreg:$0x4] =	wrdreg $0x9  }
0xb1: {  	_ =	task.clear_ibuf [dreg:s6], $0x5FFFF;
	_ =	strace $0x90000046  }
0xb2: {  	s29 =	simm.s32 $0x9;
	_ =	strace $0x80000048  }
0xb3: {  	_ =	swait.ge [sflag:s29], $0x1  }
0xb4: {  	[sflag:s29] =	ssyncadd.s32 $0xFFFFFFFF  }
0xb5: {  	_ =	strace $0x90000048  }
0xb6: {  	_ =	sfence  }
0xb7: {  	s30 =	sld [smem:$0x0];
	_ =	sdelay $0x2  }
0xb8: {  	s31 =	sshll.u32 s1, $0xD;
	s1 =	sshrl.u32 s1, $0x2  }
0xb9: {  	s3 =	sand.u32 $0x4000, s31;
	s1 =	sadd.s32 s1, s30  }
0xba: {  	s0 =	sor.u32 s3, s0;
	s1 =	sshll.u32 s1, $0x11  }
0xbb: {  	s0 =	sor.u32 s1, s0  }
0xbc: {  	s0 =	sadd.s32 $0x8F2B, s0  }
0xbd: {  	[sflag:s0] =	ssyncadd.remote.s32 $0x1  }
0xbe: {  	_ =	sfence.sel $0xFFFF  }
0xbf: {  	[dreg:$0x0] =	wrdreg $0xFFFFFFFF;
	(pc) =	sbr.abs _section_cstart, $3  }
0xc0: {  	[dreg:$0x1] =	wrdreg $0xFFFFFFFF  }
0xc1: {  	_ =	task.clear_ibuf [dreg:s6], $0x2FFFF;
	_ =	strace $0x9FFFFFFF  }
0xc2: {  	(tm) =	ssettm $0x7FFFFFFF  }
0xc3: {  	_ =	shalt  }
tec
execute0_lowered:
.L_overlay_start_1:
0x0: {  	(tag) =	ssettag $0x1  }
0x1: {  	s5 =	rddreg [dreg:$0x0]  }
0x2: {  	s0 =	srdreg.scid;
	s2 =	rddreg [dreg:$0x1]  }
0x3: {  	s3 =	simm.s32 $0x0;
	s4 =	sand.u32 $0x1, s0;
	s0 =	stileid.u32  }
0x4: {  	s11 =	simm.s32 $0x13C00;
	s14 =	simm.s32 $0x80;
	s7 =	smul.u32 $0x13C00, s0  }
0x5: {  	s15 =	simm.s32 $0x0;
	[smem:$0x7FF] =	sst s3;
	s8 =	smul.u32 $0x13C000, s4  }
0x6: {  	s1 =	sshll.u32 s4, $0x4;
	s29 =	ssub.s32 $0x2, s4;
	s10 =	smul.u32 $0x4F000, s0  }
0x7: {  	s4 =	sadd.s32 $0x33800, s5;
	s12 =	sshll.u32 s0, $0x6;
	s1 =	sor.u32 s0, s1  }
0x8: {  	s30 =	sshrl.u32 s29, $0x1;
	s12 =	sor.u32 $0x1C01, s12;
	s6 =	smul.u32 $0x500, s1  }
0x9: {  	s1 =	rddreg [dreg:$0x2];
	_ =	strace $0x80000047;
	s9 =	sshrl.u32 s7, $0x3  }
0xa: {  	s7 =	sadd.s32 s7, s8;
	s8 =	ssub.s32 s29, s30;
	s31 =	sshrl.u32 s10, $0x2  }
0xb: {  	s10 =	simm.s32 $0x1;
	s9 =	sadd.s32 s9, s5;
	s7 =	sshrl.u32 s7, $0x3  }
0xc: {  	s13 =	sadd.s32 s31, s2;
	s8 =	smax.u32 s8, $0x1;
	s6 =	sadd.s32 s6, s5  }
0xd: {  	s7 =	sadd.s32 s7, s5;
	s13 =	sshrl.u32 s13, $0x3;
	s5 =	sadd.s32 $0x2000, s6  }
0xe: {  	s6 =	sadd.s32 $0xC000, s9;
	s7 =	sadd.s32 $0x34000, s7;
	s9 =	simm.s32 $0x16400  }
.LBB2_1:
0xf: {  	[tilespmem:s9], [sflag:$0x1] =	stream.linear.gather [hbm4b:s4+s3], $0x4000, $0x38;
	[tilespmem:$0x1A400] =	vst v63  }
0x10: {  	_ =	swait.ge [sflag:s10], $0x4000  }
0x11: {  	[sflag:s10] =	ssyncset.done $0x0  }
0x12: {  	[sflag:s10] =	ssyncadd.s32 $0xFFFFC000  }
0x13: {  	[tilespmem:s11], [sflag:$0x1] =	stream.linear.gather [hbm4b:s5+s3], $0x2800, $0x38;
	[tilespmem:$0x1A400] =	vst v63  }
0x14: {  	_ =	swait.ge [sflag:s10], $0x2800  }
0x15: {  	[sflag:s10] =	ssyncset.done $0x0  }
0x16: {  	[sflag:s10] =	ssyncadd.s32 $0xFFFFD800  }
0x17: {  	[spmem:s13], [sflag:s12] =	dma.local [hbm:s6], $0x2780  }
0x18: {  	_ =	swait.ge [sflag:s10], $0x2780  }
0x19: {  	[sflag:s10] =	ssyncset.done $0x0  }
0x1a: {  	[sflag:s10] =	ssyncadd.s32 $0xFFFFD880  }
0x1b: {  	s16 =	simm.s32 $0x13C00;
	[bflag:$0x0] =	sbarrier.arrive $0xFFFF  }
0x1c: {  	[spmem:s2] =	stream.indirect.scatter.add.f32 [tilespmem:s9], [sflag:$0x1], $0x80, s16, s14, $0xb8;
	[tilespmem:$0x1A400] =	vst v63  }
0x1d: {  	s16 =	simm.s32 $0x200;
	_ =	swait.ge [sflag:s10], $0x4000  }
.LBB2_2:
0x1e: {  	s17 =	sshra.s32 s16, $0x2;
	[sflag:s10] =	ssyncset.done $0x0;
	p0 =	sne.s32 s16, $0x9E00  }
.Ltmp0:
0x1f: {  	s17 =	sadd.s32 $0x13C00, s17;
	[sflag:s10] =	ssyncadd.s32 $0xFFFFC000;
	(pc) =	sbr.rel @p0 .LBB2_2-.Ltmp0, $3  }
0x20: {  	[spmem:s2] =	stream.indirect.scatter.add.f32 [tilespmem:s9], [sflag:$0x1], $0x80, s17, s14, $0xb8;
	[tilespmem:$0x1A400] =	vst v63  }
0x21: {  	s16 =	sadd.s32 $0x200, s16;
	_ =	sdelay $0x1  }
0x22: {  	_ =	swait.ge [sflag:s10], $0x4000  }
0x23: {  	[sflag:s10] =	ssyncset.done $0x0;
	s15 =	sadd.s32 $0x1, s15  }
0x24: {  	[sflag:s10] =	ssyncadd.s32 $0xFFFFC000;
	p0 =	sne.s32 s15, s8  }
.Ltmp1:
0x25: {  	[bflag:$0x0] =	sbarrier.arrive $0xFFFF;
	(pc) =	sbr.rel @p0 .LBB2_1-.Ltmp1, $4  }
0x26: {  	[hbm:s7], [sflag:s12] =	dma.local [spmem:s13], $0x2780  }
0x27: {  	_ =	swait.ge [sflag:s10], $0x2780  }
0x28: {  	[sflag:s10] =	ssyncset.done $0x0  }
0x29: {  	[sflag:s10] =	ssyncadd.s32 $0xFFFFD880  }
0x2a: {  	_ =	sfence.sel $0x180000  }
0x2b: {  	[bflag:$0x0] =	sbarrier.arrive $0xFFFF  }
0x2c: {  	p0 =	sne.s32 s0, $0x0;
	_ =	strace $0x90000047  }
0x2d: {  	s0 =	sadd.s32 @!p0 $0x100000, s1;
	[bflag:$0x2] =	sbarrier.arrive $0xFFFF  }
0x2e: {  	[sflag:s0] =	ssyncadd.tile.s32 @!p0 $0x1;
	_ =	shalt  }
.Lfunc_end2:
_tile_overlayer_lowered:
.L_overlay_start_2:
0x2f: {  	(tag) =	ssettag $0x2  }
0x30: {  	s0 =	rddreg [dreg:$0x0];
	s2 =	stileid.u32  }
0x31: {  	s1 =	rddreg [dreg:$0x1];
	p0 =	sne.s32 s2, $0x0  }
0x32: {  	s3 =	rddreg [dreg:$0x2];
	[bflag:$0x3] =	sbarrier.arrive $0xFFFF;
	s2 =	simm.s32 @!p0 $0x1C01  }
0x33: {  	[timem:s3], [sflag:s2] =	dma.local @!p0 [hbm:s0], s1  }
0x34: {  	s0 =	simm.s32 @!p0 $0x1  }
0x35: {  	_ =	swait.ge @!p0 [sflag:s0], s1  }
0x36: {  	s1 =	ssub.s32 @!p0 $0x0, s1;
	[sflag:s0] =	ssyncset.done @!p0 $0x0  }
0x37: {  	[sflag:s0] =	ssyncadd.s32 @!p0 s1  }
0x38: {  	[bflag:$0x3] =	sbarrier.arrive $0xFFFF  }
0x39: {  	_ =	shalt  }

</sc_bundles>
